<compile_context>
chip_gen: v7x
topology: tpu7x:2x2x1
jax: 0.10.2.dev20260603
libtpu: 0.0.44.dev20260713+nightly
codegen_flags: <defaults>
</compile_context>

<pallas_src>
import functools

import jax
import jax.numpy as jnp
from jax import lax
from jax.experimental import pallas as pl
from jax.experimental.pallas import tpu as pltpu
from jax.experimental.pallas import tpu_sc as plsc

_K = 1024
_D = 64
_DP = 128
_COST = 0.25
_N = 32 * 576
_NA = _N // 4
_NB = _N - _NA
_BN1 = 2304
_BN2 = 2304
_NW = 32
_BPW = _NA // _NW
_NCH = 2
_CH = _BPW // _NCH


def _argmin_body(x_ref, cbt2_ref, mean_ref, std_ref, idx_ref):
    x = x_ref[...]
    xn = (x - mean_ref[...]) / std_ref[...]
    cbt2 = cbt2_ref[...]
    dot2 = lax.dot_general(xn, cbt2, (((1,), (0,)), ((), ())),
                           preferred_element_type=jnp.float32)
    x2 = jnp.sum(xn * xn, axis=1, keepdims=True)
    c2 = 0.25 * jnp.sum(cbt2 * cbt2, axis=0, keepdims=True)
    d2 = (x2 + dot2) + c2
    dmin = jnp.min(d2, axis=1, keepdims=True)
    kiota = lax.broadcasted_iota(jnp.int32, d2.shape, 1).astype(jnp.float32)
    fidx = jnp.min(jnp.where(d2 == dmin, kiota, float(_K)), axis=1,
                   keepdims=True)
    idx_ref[...] = fidx.astype(jnp.int32)


def _fused_body(x_ref, cbt2_ref, mean_ref, std_ref, q_ref, idx_ref, loss_ref):
    x = x_ref[...]
    mean = mean_ref[...]
    std = std_ref[...]
    xn = (x - mean) / std
    cbt2 = cbt2_ref[...]
    dot2 = lax.dot_general(xn, cbt2, (((1,), (0,)), ((), ())),
                           preferred_element_type=jnp.float32)
    x2 = jnp.sum(xn * xn, axis=1, keepdims=True)
    c2 = 0.25 * jnp.sum(cbt2 * cbt2, axis=0, keepdims=True)
    d2 = (x2 + dot2) + c2
    dmin = jnp.min(d2, axis=1, keepdims=True)
    kiota = lax.broadcasted_iota(jnp.int32, d2.shape, 1).astype(jnp.float32)
    fidx = jnp.min(jnp.where(d2 == dmin, kiota, float(_K)), axis=1,
                   keepdims=True)
    idx_ref[...] = fidx.astype(jnp.int32)
    onehot = (kiota == fidx).astype(jnp.float32)
    qn2 = lax.dot_general(onehot, cbt2, (((1,), (1,)), ((), ())),
                          preferred_element_type=jnp.float32)
    q = qn2 * (-0.5 * std) + mean
    q_ref[...] = q
    loss_ref[...] = jnp.sum((x - q) ** 2).reshape(1, 1, 1)


_sc_mesh = plsc.VectorSubcoreMesh(core_axis_name="c", subcore_axis_name="s")


@functools.partial(
    pl.kernel,
    mesh=_sc_mesh,
    out_type=[
        jax.ShapeDtypeStruct((_NA * _D,), jnp.float32),
        jax.ShapeDtypeStruct((_NW * 16,), jnp.float32),
    ],
    scratch_types=[
        pltpu.VMEM((_BPW,), jnp.int32),
        pltpu.VMEM((_CH, _DP), jnp.float32),
        pltpu.VMEM((_CH, _DP), jnp.float32),
        pltpu.VMEM((_BPW * _D,), jnp.float32),
        pltpu.VMEM((_BPW * _D,), jnp.float32),
        pltpu.VMEM((_D,), jnp.float32),
        pltpu.VMEM((_D,), jnp.float32),
        pltpu.VMEM((16,), jnp.float32),
        pltpu.SemaphoreType.DMA,
        pltpu.SemaphoreType.DMA,
        pltpu.SemaphoreType.DMA,
    ],
)
def _sc_lookup(idx_hbm, cb_hbm, x_hbm, mean_hbm, std_hbm,
               q_hbm, loss_hbm,
               idx_v, gbuf0, gbuf1, x_v, out_v, mean_v, std_v, out16_v,
               sem0, sem1, sem_x):
    wid = lax.axis_index("s") * 2 + lax.axis_index("c")
    base = wid * _BPW
    gbufs = (gbuf0, gbuf1)
    sems = (sem0, sem1)
    pltpu.sync_copy(idx_hbm.at[pl.ds(base, _BPW)], idx_v)
    x_cp = pltpu.async_copy(x_hbm.at[pl.ds(base * _D, _BPW * _D)], x_v, sem_x)
    pltpu.sync_copy(mean_hbm, mean_v)
    pltpu.sync_copy(std_hbm, std_v)
    stats = [(std_v[pl.ds(16 * ci, 16)], mean_v[pl.ds(16 * ci, 16)])
             for ci in range(4)]

    copies = [pltpu.async_copy(
        cb_hbm.at[idx_v.at[pl.ds(0, _CH)]], gbufs[0], sems[0])]
    x_cp.wait()
    accs = (jnp.zeros((16,), jnp.float32),) * 4
    for ch in range(_NCH):
        copies[ch].wait()
        if ch + 1 < _NCH:
            copies.append(pltpu.async_copy(
                cb_hbm.at[idx_v.at[pl.ds((ch + 1) * _CH, _CH)]],
                gbufs[(ch + 1) % 2], sems[(ch + 1) % 2]))
        gbuf = gbufs[ch % 2]
        chbase = ch * _CH * _D

        def body(p, accs, gbuf=gbuf, chbase=chbase):
            new = list(accs)
            for r in range(2):
                row = 2 * p + r
                for ci in range(4):
                    fo = chbase + row * _D + ci * 16
                    q16 = (gbuf[row, pl.ds(ci * 16, 16)] * stats[ci][0]
                           + stats[ci][1])
                    out_v[pl.ds(fo, 16)] = q16
                    dd = x_v[pl.ds(fo, 16)] - q16
                    new[ci] = new[ci] + dd * dd
            return tuple(new)

        accs = lax.fori_loop(0, _CH // 2, body, accs)
    out16_v[...] = (accs[0] + accs[1]) + (accs[2] + accs[3])
    pltpu.sync_copy(out_v, q_hbm.at[pl.ds(base * _D, _BPW * _D)])
    pltpu.sync_copy(out16_v, loss_hbm.at[pl.ds(wid * 16, 16)])


def kernel(x, codebook, channel_means, channel_stds):
    B, T, D = x.shape
    N = B * T
    xf = x.reshape(N, D)
    cbt2 = codebook.T * (-2.0)
    cb_pad = jnp.concatenate(
        [codebook, jnp.zeros((_K, _DP - _D), jnp.float32)], axis=1)
    mean = channel_means.reshape(1, D)
    std = channel_stds.reshape(1, D)
    xa = xf[:_NA]
    xb = xf[_NA:]
    idx_a = pl.pallas_call(
        _argmin_body,
        grid=(_NA // _BN1,),
        in_specs=[
            pl.BlockSpec((_BN1, D), lambda i: (i, 0)),
            pl.BlockSpec((D, _K), lambda i: (0, 0)),
            pl.BlockSpec((1, D), lambda i: (0, 0)),
            pl.BlockSpec((1, D), lambda i: (0, 0)),
        ],
        out_specs=pl.BlockSpec((_BN1, 1), lambda i: (i, 0)),
        out_shape=jax.ShapeDtypeStruct((_NA, 1), jnp.int32),
    )(xa, cbt2, mean, std)
    q_a, loss_a = _sc_lookup(idx_a.reshape(_NA), cb_pad, xa.reshape(_NA * D),
                             channel_means, channel_stds)
    gb = _NB // _BN2
    q_b, idx_b, lp_b = pl.pallas_call(
        _fused_body,
        grid=(gb,),
        in_specs=[
            pl.BlockSpec((_BN2, D), lambda i: (i, 0)),
            pl.BlockSpec((D, _K), lambda i: (0, 0)),
            pl.BlockSpec((1, D), lambda i: (0, 0)),
            pl.BlockSpec((1, D), lambda i: (0, 0)),
        ],
        out_specs=[
            pl.BlockSpec((_BN2, D), lambda i: (i, 0)),
            pl.BlockSpec((_BN2, 1), lambda i: (i, 0)),
            pl.BlockSpec((1, 1, 1), lambda i: (i, 0, 0)),
        ],
        out_shape=[
            jax.ShapeDtypeStruct((_NB, D), jnp.float32),
            jax.ShapeDtypeStruct((_NB, 1), jnp.int32),
            jax.ShapeDtypeStruct((gb, 1, 1), jnp.float32),
        ],
    )(xb, cbt2, mean, std)
    quantized_st = jnp.concatenate(
        [q_a.reshape(_NA, D), q_b], axis=0).reshape(B, T, D)
    indices = jnp.concatenate([idx_a, idx_b], axis=0).reshape(B, T)
    loss = ((jnp.sum(loss_a) + jnp.sum(lp_b))
            * (_COST / (N * D)))
    return quantized_st, indices, loss

# --- scband reference (transcript-rebuilt; emitter-appended) ---
"""Pipeline reference for scband-kmeans-fsq-32315333935397 (READ-ONLY COPY).

The authoritative reference and input builder live on the scoring server;
editing this copy changes nothing except your own understanding.
"""

import jax, jax.numpy as jnp
import numpy as np

NUM_CLUSTERS = 1024
EMBED_DIM = 64
COMMITMENT_COST = 0.25

def setup_inputs(seed: int = 0) -> dict:
    key = jax.random.key(seed)
    k1, k2, k3, k4 = jax.random.split(key, 4)
    x = jax.random.normal(k1, (32, 576, EMBED_DIM), dtype=jnp.float32)
    codebook = jax.random.normal(k2, (NUM_CLUSTERS, EMBED_DIM), dtype=jnp.float32)
    channel_means = jnp.zeros((EMBED_DIM,), dtype=jnp.float32)
    channel_stds = jnp.ones((EMBED_DIM,), dtype=jnp.float32)
    return {"x": x, "codebook": codebook, "channel_means": channel_means, "channel_stds": channel_stds}

def reference(x, codebook, channel_means, channel_stds):
    # eval-mode forward of KMeansFSQ (buffers are constants; no EMA updates)
    x_norm = (x - channel_means) / channel_stds
    # torch.cdist: euclidean distances between x_norm [..., D] and codebook [K, D]
    x2 = jnp.sum(x_norm * x_norm, axis=-1, keepdims=True)
    c2 = jnp.sum(codebook * codebook, axis=-1)
    d2 = x2 - 2.0 * jnp.einsum('btd,kd->btk', x_norm, codebook) + c2
    distances = jnp.sqrt(jnp.maximum(d2, 0.0))
    indices = jnp.argmin(distances, axis=-1)
    quantized = jnp.take(codebook, indices, axis=0)
    quantized = quantized * channel_stds + channel_means
    quantized_st = x + jax.lax.stop_gradient(quantized - x)
    commitment_loss = jnp.mean((x - jax.lax.stop_gradient(quantized)) ** 2) * COMMITMENT_COST
    return quantized_st, indices, commitment_loss

if __name__ == "__main__":
    import jax
    _d = setup_inputs()
    print(jax.jit(kernel)(*tuple(_d.values())))

</pallas_src>

<mosaic_0001>
#map = affine_map<(d0, d1) -> (0)>
#map1 = affine_map<(d0, d1) -> (0, 0)>
module attributes {stable_mosaic.version = 14 : i64} {
  func.func @_sc_lookup(%arg0: i32, %arg1: i32, %arg2: memref<4608xi32, #tpu.memory_space<hbm>>, %arg3: memref<1024x128xf32, #tpu.memory_space<hbm>>, %arg4: memref<294912xf32, #tpu.memory_space<hbm>>, %arg5: memref<64xf32, #tpu.memory_space<hbm>>, %arg6: memref<64xf32, #tpu.memory_space<hbm>>, %arg7: memref<294912xf32, #tpu.memory_space<hbm>>, %arg8: memref<512xf32, #tpu.memory_space<hbm>>, %arg9: memref<144xi32, #tpu.memory_space<vmem>>, %arg10: memref<72x128xf32, #tpu.memory_space<vmem>>, %arg11: memref<72x128xf32, #tpu.memory_space<vmem>>, %arg12: memref<9216xf32, #tpu.memory_space<vmem>>, %arg13: memref<9216xf32, #tpu.memory_space<vmem>>, %arg14: memref<64xf32, #tpu.memory_space<vmem>>, %arg15: memref<64xf32, #tpu.memory_space<vmem>>, %arg16: memref<16xf32, #tpu.memory_space<vmem>>, %arg17: memref<!tpu.dma_semaphore, #tpu.memory_space<semaphore_mem>>, %arg18: memref<!tpu.dma_semaphore, #tpu.memory_space<semaphore_mem>>, %arg19: memref<!tpu.dma_semaphore, #tpu.memory_space<semaphore_mem>>) attributes {dimension_semantics = [#tpu.dimension_semantics<core_parallel>, #tpu.dimension_semantics<subcore_parallel>], iteration_bounds = array<i64: 2, 16>, scalar_prefetch = 0 : i64, scratch_operands = 11 : i64, tpu.core_type = #tpu.core_type<sc_vector_subcore>, window_params = [{transform_indices = #map}, {transform_indices = #map1}, {transform_indices = #map}, {transform_indices = #map}, {transform_indices = #map}, {transform_indices = #map}, {transform_indices = #map}]} {
    %mul3A = arith.constant 2 : i32
    %mul3A_0 = arith.muli %arg1, %mul3A : i32
    %add3A = arith.addi %mul3A_0, %arg0 : i32
    %mul3A_1 = arith.constant 144 : i32
    %mul3A_2 = arith.muli %add3A, %mul3A_1 : i32
    "tpu.region"() ({
      %run_scoped3A = tpu.sem_alloc : memref<!tpu.dma_semaphore, #tpu.memory_space<semaphore_mem>>
      %dma_start3A_72 = tpu.memref_slice %arg2[%mul3A_2] : memref<4608xi32, #tpu.memory_space<hbm>> -> memref<144xi32, #tpu.memory_space<hbm>>
      %dma_start3A_73 = tpu.memref_slice %arg2[%mul3A_2] : memref<4608xi32, #tpu.memory_space<hbm>> -> memref<144xi32, #tpu.memory_space<hbm>>
      tpu.enqueue_dma source(%dma_start3A_73 : memref<144xi32, #tpu.memory_space<hbm>>) target(%arg9 : memref<144xi32, #tpu.memory_space<vmem>>) target_semaphore(%run_scoped3A : memref<!tpu.dma_semaphore, #tpu.memory_space<semaphore_mem>>)
      %dma_wait3A_74 = tpu.memref_slice %arg2[%mul3A_2] : memref<4608xi32, #tpu.memory_space<hbm>> -> memref<144xi32, #tpu.memory_space<hbm>>
      %dma_wait3A_75 = tpu.memref_slice %arg2[%mul3A_2] : memref<4608xi32, #tpu.memory_space<hbm>> -> memref<144xi32, #tpu.memory_space<hbm>>
      tpu.wait_dma2 semaphore(%run_scoped3A : memref<!tpu.dma_semaphore, #tpu.memory_space<semaphore_mem>>) src(%dma_wait3A_75 : memref<144xi32, #tpu.memory_space<hbm>>) dst(%arg9 : memref<144xi32, #tpu.memory_space<vmem>>)
      tpu.yield
    }) : () -> ()
    %mul3A_3 = arith.constant 64 : i32
    %mul3A_4 = arith.muli %mul3A_2, %mul3A_3 : i32
    %dma_start3A = tpu.memref_slice %arg4[%mul3A_4] : memref<294912xf32, #tpu.memory_space<hbm>> -> memref<9216xf32, #tpu.memory_space<hbm>>
    %dma_start3A_5 = tpu.memref_slice %arg4[%mul3A_4] : memref<294912xf32, #tpu.memory_space<hbm>> -> memref<9216xf32, #tpu.memory_space<hbm>>
    tpu.enqueue_dma source(%dma_start3A_5 : memref<9216xf32, #tpu.memory_space<hbm>>) target(%arg12 : memref<9216xf32, #tpu.memory_space<vmem>>) target_semaphore(%arg19 : memref<!tpu.dma_semaphore, #tpu.memory_space<semaphore_mem>>)
    "tpu.region"() ({
      %run_scoped3A = tpu.sem_alloc : memref<!tpu.dma_semaphore, #tpu.memory_space<semaphore_mem>>
      tpu.enqueue_dma source(%arg5 : memref<64xf32, #tpu.memory_space<hbm>>) target(%arg14 : memref<64xf32, #tpu.memory_space<vmem>>) target_semaphore(%run_scoped3A : memref<!tpu.dma_semaphore, #tpu.memory_space<semaphore_mem>>)
      tpu.wait_dma2 semaphore(%run_scoped3A : memref<!tpu.dma_semaphore, #tpu.memory_space<semaphore_mem>>) src(%arg5 : memref<64xf32, #tpu.memory_space<hbm>>) dst(%arg14 : memref<64xf32, #tpu.memory_space<vmem>>)
      tpu.yield
    }) : () -> ()
    "tpu.region"() ({
      %run_scoped3A = tpu.sem_alloc : memref<!tpu.dma_semaphore, #tpu.memory_space<semaphore_mem>>
      tpu.enqueue_dma source(%arg6 : memref<64xf32, #tpu.memory_space<hbm>>) target(%arg15 : memref<64xf32, #tpu.memory_space<vmem>>) target_semaphore(%run_scoped3A : memref<!tpu.dma_semaphore, #tpu.memory_space<semaphore_mem>>)
      tpu.wait_dma2 semaphore(%run_scoped3A : memref<!tpu.dma_semaphore, #tpu.memory_space<semaphore_mem>>) src(%arg6 : memref<64xf32, #tpu.memory_space<hbm>>) dst(%arg15 : memref<64xf32, #tpu.memory_space<vmem>>)
      tpu.yield
    }) : () -> ()
    %get3A = arith.constant 0 : index
    %get3A_6 = tpu.vector_load %arg15[%get3A] {strides = array<i32>} : memref<64xf32, #tpu.memory_space<vmem>>, vector<16xf32>,
    %get3A_7 = vector.shape_cast %get3A_6 : vector<16xf32> to vector<16xf32>
    %get3A_8 = arith.constant 0 : index
    %get3A_9 = tpu.vector_load %arg14[%get3A_8] {strides = array<i32>} : memref<64xf32, #tpu.memory_space<vmem>>, vector<16xf32>,
    %get3A_10 = vector.shape_cast %get3A_9 : vector<16xf32> to vector<16xf32>
    %get3A_11 = arith.constant 16 : index
    %get3A_12 = tpu.vector_load %arg15[%get3A_11] {strides = array<i32>} : memref<64xf32, #tpu.memory_space<vmem>>, vector<16xf32>,
    %get3A_13 = vector.shape_cast %get3A_12 : vector<16xf32> to vector<16xf32>
    %get3A_14 = arith.constant 16 : index
    %get3A_15 = tpu.vector_load %arg14[%get3A_14] {strides = array<i32>} : memref<64xf32, #tpu.memory_space<vmem>>, vector<16xf32>,
    %get3A_16 = vector.shape_cast %get3A_15 : vector<16xf32> to vector<16xf32>
    %get3A_17 = arith.constant 32 : index
    %get3A_18 = tpu.vector_load %arg15[%get3A_17] {strides = array<i32>} : memref<64xf32, #tpu.memory_space<vmem>>, vector<16xf32>,
    %get3A_19 = vector.shape_cast %get3A_18 : vector<16xf32> to vector<16xf32>
    %get3A_20 = arith.constant 32 : index
    %get3A_21 = tpu.vector_load %arg14[%get3A_20] {strides = array<i32>} : memref<64xf32, #tpu.memory_space<vmem>>, vector<16xf32>,
    %get3A_22 = vector.shape_cast %get3A_21 : vector<16xf32> to vector<16xf32>
    %get3A_23 = arith.constant 48 : index
    %get3A_24 = tpu.vector_load %arg15[%get3A_23] {strides = array<i32>} : memref<64xf32, #tpu.memory_space<vmem>>, vector<16xf32>,
    %get3A_25 = vector.shape_cast %get3A_24 : vector<16xf32> to vector<16xf32>
    %get3A_26 = arith.constant 48 : index
    %get3A_27 = tpu.vector_load %arg14[%get3A_26] {strides = array<i32>} : memref<64xf32, #tpu.memory_space<vmem>>, vector<16xf32>,
    %get3A_28 = vector.shape_cast %get3A_27 : vector<16xf32> to vector<16xf32>
    %dma_start3A_29 = arith.constant 0 : i32
    %dma_start3A_30 = tpu.memref_slice %arg9[%dma_start3A_29] : memref<144xi32, #tpu.memory_space<vmem>> -> memref<72xi32, #tpu.memory_space<vmem>>
    %dma_start3A_31 = arith.constant 0 : i32
    %dma_start3A_32 = arith.constant 0 : i32
    %dma_start3A_33 = tpu.memref_slice %arg3[%dma_start3A_31, %dma_start3A_32] : memref<1024x128xf32, #tpu.memory_space<hbm>> -> memref<1024x128xf32, #tpu.memory_space<hbm>>
    tpu.enqueue_indirect_dma source(%dma_start3A_33 : memref<1024x128xf32, #tpu.memory_space<hbm>>) target(%arg10 : memref<72x128xf32, #tpu.memory_space<vmem>>) offsets(%dma_start3A_30 : memref<72xi32, #tpu.memory_space<vmem>>) semaphore(%arg17 : memref<!tpu.dma_semaphore, #tpu.memory_space<semaphore_mem>>)
    %dma_wait3A = tpu.memref_slice %arg4[%mul3A_4] : memref<294912xf32, #tpu.memory_space<hbm>> -> memref<9216xf32, #tpu.memory_space<hbm>>
    %dma_wait3A_34 = tpu.memref_slice %arg4[%mul3A_4] : memref<294912xf32, #tpu.memory_space<hbm>> -> memref<9216xf32, #tpu.memory_space<hbm>>
    tpu.wait_dma2 semaphore(%arg19 : memref<!tpu.dma_semaphore, #tpu.memory_space<semaphore_mem>>) src(%dma_wait3A_34 : memref<9216xf32, #tpu.memory_space<hbm>>) dst(%arg12 : memref<9216xf32, #tpu.memory_space<vmem>>)
    %broadcast_in_dim3A = arith.constant 0.000000e+00 : f32
    %broadcast_in_dim3A_35 = vector.broadcast %broadcast_in_dim3A : f32 to vector<16xf32>
    %dma_wait3A_36 = arith.constant 0 : i32
    %dma_wait3A_37 = tpu.memref_slice %arg9[%dma_wait3A_36] : memref<144xi32, #tpu.memory_space<vmem>> -> memref<72xi32, #tpu.memory_space<vmem>>
    %dma_wait3A_38 = arith.constant 0 : i32
    %dma_wait3A_39 = arith.constant 0 : i32
    %dma_wait3A_40 = tpu.memref_slice %arg3[%dma_wait3A_38, %dma_wait3A_39] : memref<1024x128xf32, #tpu.memory_space<hbm>> -> memref<1024x128xf32, #tpu.memory_space<hbm>>
    tpu.wait_indirect_dma semaphore(%arg17 : memref<!tpu.dma_semaphore, #tpu.memory_space<semaphore_mem>>) src(%dma_wait3A_40 : memref<1024x128xf32, #tpu.memory_space<hbm>>) dst(%arg10 : memref<72x128xf32, #tpu.memory_space<vmem>>)
    %dma_start3A_41 = arith.constant 72 : i32
    %dma_start3A_42 = tpu.memref_slice %arg9[%dma_start3A_41] : memref<144xi32, #tpu.memory_space<vmem>> -> memref<72xi32, #tpu.memory_space<vmem>>
    %dma_start3A_43 = arith.constant 0 : i32
    %dma_start3A_44 = arith.constant 0 : i32
    %dma_start3A_45 = tpu.memref_slice %arg3[%dma_start3A_43, %dma_start3A_44] : memref<1024x128xf32, #tpu.memory_space<hbm>> -> memref<1024x128xf32, #tpu.memory_space<hbm>>
    tpu.enqueue_indirect_dma source(%dma_start3A_45 : memref<1024x128xf32, #tpu.memory_space<hbm>>) target(%arg11 : memref<72x128xf32, #tpu.memory_space<vmem>>) offsets(%dma_start3A_42 : memref<72xi32, #tpu.memory_space<vmem>>) semaphore(%arg18 : memref<!tpu.dma_semaphore, #tpu.memory_space<semaphore_mem>>)
    %scan3A = arith.constant 0 : i32
    %scan3A_46 = arith.constant 36 : i32
    %scan3A_47 = arith.addi %scan3A, %scan3A_46 : i32
    %scan3A_48 = arith.constant 1 : i32
    %scan3A_49:4 = scf.for %scan3A_72 = %scan3A to %scan3A_47 step %scan3A_48 iter_args(%scan3A_73 = %broadcast_in_dim3A_35, %scan3A_74 = %broadcast_in_dim3A_35, %scan3A_75 = %broadcast_in_dim3A_35, %scan3A_76 = %broadcast_in_dim3A_35) -> (vector<16xf32>, vector<16xf32>, vector<16xf32>, vector<16xf32>)  : i32 {
      %mul3A_77 = arith.constant 2 : i32
      %mul3A_78 = arith.muli %mul3A_77, %scan3A_72 : i32
      %add3A_79 = arith.constant 0 : i32
      %add3A_80 = arith.addi %mul3A_78, %add3A_79 : i32
      %mul3A_81 = arith.constant 64 : i32
      %mul3A_82 = arith.muli %add3A_80, %mul3A_81 : i32
      %add3A_83 = arith.constant 0 : i32
      %add3A_84 = arith.addi %add3A_83, %mul3A_82 : i32
      %add3A_85 = arith.constant 0 : i32
      %add3A_86 = arith.addi %add3A_84, %add3A_85 : i32
      %get3A_87 = arith.index_cast %add3A_80 : i32 to index
      %get3A_88 = arith.constant 0 : index
      %get3A_89 = tpu.vector_load %arg10[%get3A_87, %get3A_88] {strides = array<i32>} : memref<72x128xf32, #tpu.memory_space<vmem>>, vector<1x16xf32>,
      %get3A_90 = vector.shape_cast %get3A_89 : vector<1x16xf32> to vector<16xf32>
      %mul3A_91 = arith.mulf %get3A_90, %get3A_7 : vector<16xf32>
      %add3A_92 = arith.addf %mul3A_91, %get3A_10 : vector<16xf32>
      %swap3A_93 = arith.index_cast %add3A_86 : i32 to index
      %swap3A_94 = tpu.vector_load %arg13[%swap3A_93] {strides = array<i32>} : memref<9216xf32, #tpu.memory_space<vmem>>, vector<16xf32>,
      %swap3A_95 = vector.shape_cast %swap3A_94 : vector<16xf32> to vector<16xf32>
      %swap3A_96 = vector.shape_cast %add3A_92 : vector<16xf32> to vector<16xf32>
      tpu.vector_store %arg13[%swap3A_93], %swap3A_96 {strides = array<i32>} : memref<9216xf32, #tpu.memory_space<vmem>>, vector<16xf32>,
      %get3A_97 = arith.index_cast %add3A_86 : i32 to index
      %get3A_98 = tpu.vector_load %arg12[%get3A_97] {strides = array<i32>} : memref<9216xf32, #tpu.memory_space<vmem>>, vector<16xf32>,
      %get3A_99 = vector.shape_cast %get3A_98 : vector<16xf32> to vector<16xf32>
      %sub3A = arith.subf %get3A_99, %add3A_92 : vector<16xf32>
      %mul3A_100 = arith.mulf %sub3A, %sub3A : vector<16xf32>
      %add3A_101 = arith.addf %scan3A_73, %mul3A_100 : vector<16xf32>
      %mul3A_102 = arith.constant 64 : i32
      %mul3A_103 = arith.muli %add3A_80, %mul3A_102 : i32
      %add3A_104 = arith.constant 0 : i32
      %add3A_105 = arith.addi %add3A_104, %mul3A_103 : i32
      %add3A_106 = arith.constant 16 : i32
      %add3A_107 = arith.addi %add3A_105, %add3A_106 : i32
      %get3A_108 = arith.index_cast %add3A_80 : i32 to index
      %get3A_109 = arith.constant 16 : index
      %get3A_110 = tpu.vector_load %arg10[%get3A_108, %get3A_109] {strides = array<i32>} : memref<72x128xf32, #tpu.memory_space<vmem>>, vector<1x16xf32>,
      %get3A_111 = vector.shape_cast %get3A_110 : vector<1x16xf32> to vector<16xf32>
      %mul3A_112 = arith.mulf %get3A_111, %get3A_13 : vector<16xf32>
      %add3A_113 = arith.addf %mul3A_112, %get3A_16 : vector<16xf32>
      %swap3A_114 = arith.index_cast %add3A_107 : i32 to index
      %swap3A_115 = tpu.vector_load %arg13[%swap3A_114] {strides = array<i32>} : memref<9216xf32, #tpu.memory_space<vmem>>, vector<16xf32>,
      %swap3A_116 = vector.shape_cast %swap3A_115 : vector<16xf32> to vector<16xf32>
      %swap3A_117 = vector.shape_cast %add3A_113 : vector<16xf32> to vector<16xf32>
      tpu.vector_store %arg13[%swap3A_114], %swap3A_117 {strides = array<i32>} : memref<9216xf32, #tpu.memory_space<vmem>>, vector<16xf32>,
      %get3A_118 = arith.index_cast %add3A_107 : i32 to index
      %get3A_119 = tpu.vector_load %arg12[%get3A_118] {strides = array<i32>} : memref<9216xf32, #tpu.memory_space<vmem>>, vector<16xf32>,
      %get3A_120 = vector.shape_cast %get3A_119 : vector<16xf32> to vector<16xf32>
      %sub3A_121 = arith.subf %get3A_120, %add3A_113 : vector<16xf32>
      %mul3A_122 = arith.mulf %sub3A_121, %sub3A_121 : vector<16xf32>
      %add3A_123 = arith.addf %scan3A_74, %mul3A_122 : vector<16xf32>
      %mul3A_124 = arith.constant 64 : i32
      %mul3A_125 = arith.muli %add3A_80, %mul3A_124 : i32
      %add3A_126 = arith.constant 0 : i32
      %add3A_127 = arith.addi %add3A_126, %mul3A_125 : i32
      %add3A_128 = arith.constant 32 : i32
      %add3A_129 = arith.addi %add3A_127, %add3A_128 : i32
      %get3A_130 = arith.index_cast %add3A_80 : i32 to index
      %get3A_131 = arith.constant 32 : index
      %get3A_132 = tpu.vector_load %arg10[%get3A_130, %get3A_131] {strides = array<i32>} : memref<72x128xf32, #tpu.memory_space<vmem>>, vector<1x16xf32>,
      %get3A_133 = vector.shape_cast %get3A_132 : vector<1x16xf32> to vector<16xf32>
      %mul3A_134 = arith.mulf %get3A_133, %get3A_19 : vector<16xf32>
      %add3A_135 = arith.addf %mul3A_134, %get3A_22 : vector<16xf32>
      %swap3A_136 = arith.index_cast %add3A_129 : i32 to index
      %swap3A_137 = tpu.vector_load %arg13[%swap3A_136] {strides = array<i32>} : memref<9216xf32, #tpu.memory_space<vmem>>, vector<16xf32>,
      %swap3A_138 = vector.shape_cast %swap3A_137 : vector<16xf32> to vector<16xf32>
      %swap3A_139 = vector.shape_cast %add3A_135 : vector<16xf32> to vector<16xf32>
      tpu.vector_store %arg13[%swap3A_136], %swap3A_139 {strides = array<i32>} : memref<9216xf32, #tpu.memory_space<vmem>>, vector<16xf32>,
      %get3A_140 = arith.index_cast %add3A_129 : i32 to index
      %get3A_141 = tpu.vector_load %arg12[%get3A_140] {strides = array<i32>} : memref<9216xf32, #tpu.memory_space<vmem>>, vector<16xf32>,
      %get3A_142 = vector.shape_cast %get3A_141 : vector<16xf32> to vector<16xf32>
      %sub3A_143 = arith.subf %get3A_142, %add3A_135 : vector<16xf32>
      %mul3A_144 = arith.mulf %sub3A_143, %sub3A_143 : vector<16xf32>
      %add3A_145 = arith.addf %scan3A_75, %mul3A_144 : vector<16xf32>
      %mul3A_146 = arith.constant 64 : i32
      %mul3A_147 = arith.muli %add3A_80, %mul3A_146 : i32
      %add3A_148 = arith.constant 0 : i32
      %add3A_149 = arith.addi %add3A_148, %mul3A_147 : i32
      %add3A_150 = arith.constant 48 : i32
      %add3A_151 = arith.addi %add3A_149, %add3A_150 : i32
      %get3A_152 = arith.index_cast %add3A_80 : i32 to index
      %get3A_153 = arith.constant 48 : index
      %get3A_154 = tpu.vector_load %arg10[%get3A_152, %get3A_153] {strides = array<i32>} : memref<72x128xf32, #tpu.memory_space<vmem>>, vector<1x16xf32>,
      %get3A_155 = vector.shape_cast %get3A_154 : vector<1x16xf32> to vector<16xf32>
      %mul3A_156 = arith.mulf %get3A_155, %get3A_25 : vector<16xf32>
      %add3A_157 = arith.addf %mul3A_156, %get3A_28 : vector<16xf32>
      %swap3A_158 = arith.index_cast %add3A_151 : i32 to index
      %swap3A_159 = tpu.vector_load %arg13[%swap3A_158] {strides = array<i32>} : memref<9216xf32, #tpu.memory_space<vmem>>, vector<16xf32>,
      %swap3A_160 = vector.shape_cast %swap3A_159 : vector<16xf32> to vector<16xf32>
      %swap3A_161 = vector.shape_cast %add3A_157 : vector<16xf32> to vector<16xf32>
      tpu.vector_store %arg13[%swap3A_158], %swap3A_161 {strides = array<i32>} : memref<9216xf32, #tpu.memory_space<vmem>>, vector<16xf32>,
      %get3A_162 = arith.index_cast %add3A_151 : i32 to index
      %get3A_163 = tpu.vector_load %arg12[%get3A_162] {strides = array<i32>} : memref<9216xf32, #tpu.memory_space<vmem>>, vector<16xf32>,
      %get3A_164 = vector.shape_cast %get3A_163 : vector<16xf32> to vector<16xf32>
      %sub3A_165 = arith.subf %get3A_164, %add3A_157 : vector<16xf32>
      %mul3A_166 = arith.mulf %sub3A_165, %sub3A_165 : vector<16xf32>
      %add3A_167 = arith.addf %scan3A_76, %mul3A_166 : vector<16xf32>
      %mul3A_168 = arith.constant 2 : i32
      %mul3A_169 = arith.muli %mul3A_168, %scan3A_72 : i32
      %add3A_170 = arith.constant 1 : i32
      %add3A_171 = arith.addi %mul3A_169, %add3A_170 : i32
      %mul3A_172 = arith.constant 64 : i32
      %mul3A_173 = arith.muli %add3A_171, %mul3A_172 : i32
      %add3A_174 = arith.constant 0 : i32
      %add3A_175 = arith.addi %add3A_174, %mul3A_173 : i32
      %add3A_176 = arith.constant 0 : i32
      %add3A_177 = arith.addi %add3A_175, %add3A_176 : i32
      %get3A_178 = arith.index_cast %add3A_171 : i32 to index
      %get3A_179 = arith.constant 0 : index
      %get3A_180 = tpu.vector_load %arg10[%get3A_178, %get3A_179] {strides = array<i32>} : memref<72x128xf32, #tpu.memory_space<vmem>>, vector<1x16xf32>,
      %get3A_181 = vector.shape_cast %get3A_180 : vector<1x16xf32> to vector<16xf32>
      %mul3A_182 = arith.mulf %get3A_181, %get3A_7 : vector<16xf32>
      %add3A_183 = arith.addf %mul3A_182, %get3A_10 : vector<16xf32>
      %swap3A_184 = arith.index_cast %add3A_177 : i32 to index
      %swap3A_185 = tpu.vector_load %arg13[%swap3A_184] {strides = array<i32>} : memref<9216xf32, #tpu.memory_space<vmem>>, vector<16xf32>,
      %swap3A_186 = vector.shape_cast %swap3A_185 : vector<16xf32> to vector<16xf32>
      %swap3A_187 = vector.shape_cast %add3A_183 : vector<16xf32> to vector<16xf32>
      tpu.vector_store %arg13[%swap3A_184], %swap3A_187 {strides = array<i32>} : memref<9216xf32, #tpu.memory_space<vmem>>, vector<16xf32>,
      %get3A_188 = arith.index_cast %add3A_177 : i32 to index
      %get3A_189 = tpu.vector_load %arg12[%get3A_188] {strides = array<i32>} : memref<9216xf32, #tpu.memory_space<vmem>>, vector<16xf32>,
      %get3A_190 = vector.shape_cast %get3A_189 : vector<16xf32> to vector<16xf32>
      %sub3A_191 = arith.subf %get3A_190, %add3A_183 : vector<16xf32>
      %mul3A_192 = arith.mulf %sub3A_191, %sub3A_191 : vector<16xf32>
      %add3A_193 = arith.addf %add3A_101, %mul3A_192 : vector<16xf32>
      %mul3A_194 = arith.constant 64 : i32
      %mul3A_195 = arith.muli %add3A_171, %mul3A_194 : i32
      %add3A_196 = arith.constant 0 : i32
      %add3A_197 = arith.addi %add3A_196, %mul3A_195 : i32
      %add3A_198 = arith.constant 16 : i32
      %add3A_199 = arith.addi %add3A_197, %add3A_198 : i32
      %get3A_200 = arith.index_cast %add3A_171 : i32 to index
      %get3A_201 = arith.constant 16 : index
      %get3A_202 = tpu.vector_load %arg10[%get3A_200, %get3A_201] {strides = array<i32>} : memref<72x128xf32, #tpu.memory_space<vmem>>, vector<1x16xf32>,
      %get3A_203 = vector.shape_cast %get3A_202 : vector<1x16xf32> to vector<16xf32>
      %mul3A_204 = arith.mulf %get3A_203, %get3A_13 : vector<16xf32>
      %add3A_205 = arith.addf %mul3A_204, %get3A_16 : vector<16xf32>
      %swap3A_206 = arith.index_cast %add3A_199 : i32 to index
      %swap3A_207 = tpu.vector_load %arg13[%swap3A_206] {strides = array<i32>} : memref<9216xf32, #tpu.memory_space<vmem>>, vector<16xf32>,
      %swap3A_208 = vector.shape_cast %swap3A_207 : vector<16xf32> to vector<16xf32>
      %swap3A_209 = vector.shape_cast %add3A_205 : vector<16xf32> to vector<16xf32>
      tpu.vector_store %arg13[%swap3A_206], %swap3A_209 {strides = array<i32>} : memref<9216xf32, #tpu.memory_space<vmem>>, vector<16xf32>,
      %get3A_210 = arith.index_cast %add3A_199 : i32 to index
      %get3A_211 = tpu.vector_load %arg12[%get3A_210] {strides = array<i32>} : memref<9216xf32, #tpu.memory_space<vmem>>, vector<16xf32>,
      %get3A_212 = vector.shape_cast %get3A_211 : vector<16xf32> to vector<16xf32>
      %sub3A_213 = arith.subf %get3A_212, %add3A_205 : vector<16xf32>
      %mul3A_214 = arith.mulf %sub3A_213, %sub3A_213 : vector<16xf32>
      %add3A_215 = arith.addf %add3A_123, %mul3A_214 : vector<16xf32>
      %mul3A_216 = arith.constant 64 : i32
      %mul3A_217 = arith.muli %add3A_171, %mul3A_216 : i32
      %add3A_218 = arith.constant 0 : i32
      %add3A_219 = arith.addi %add3A_218, %mul3A_217 : i32
      %add3A_220 = arith.constant 32 : i32
      %add3A_221 = arith.addi %add3A_219, %add3A_220 : i32
      %get3A_222 = arith.index_cast %add3A_171 : i32 to index
      %get3A_223 = arith.constant 32 : index
      %get3A_224 = tpu.vector_load %arg10[%get3A_222, %get3A_223] {strides = array<i32>} : memref<72x128xf32, #tpu.memory_space<vmem>>, vector<1x16xf32>,
      %get3A_225 = vector.shape_cast %get3A_224 : vector<1x16xf32> to vector<16xf32>
      %mul3A_226 = arith.mulf %get3A_225, %get3A_19 : vector<16xf32>
      %add3A_227 = arith.addf %mul3A_226, %get3A_22 : vector<16xf32>
      %swap3A_228 = arith.index_cast %add3A_221 : i32 to index
      %swap3A_229 = tpu.vector_load %arg13[%swap3A_228] {strides = array<i32>} : memref<9216xf32, #tpu.memory_space<vmem>>, vector<16xf32>,
      %swap3A_230 = vector.shape_cast %swap3A_229 : vector<16xf32> to vector<16xf32>
      %swap3A_231 = vector.shape_cast %add3A_227 : vector<16xf32> to vector<16xf32>
      tpu.vector_store %arg13[%swap3A_228], %swap3A_231 {strides = array<i32>} : memref<9216xf32, #tpu.memory_space<vmem>>, vector<16xf32>,
      %get3A_232 = arith.index_cast %add3A_221 : i32 to index
      %get3A_233 = tpu.vector_load %arg12[%get3A_232] {strides = array<i32>} : memref<9216xf32, #tpu.memory_space<vmem>>, vector<16xf32>,
      %get3A_234 = vector.shape_cast %get3A_233 : vector<16xf32> to vector<16xf32>
      %sub3A_235 = arith.subf %get3A_234, %add3A_227 : vector<16xf32>
      %mul3A_236 = arith.mulf %sub3A_235, %sub3A_235 : vector<16xf32>
      %add3A_237 = arith.addf %add3A_145, %mul3A_236 : vector<16xf32>
      %mul3A_238 = arith.constant 64 : i32
      %mul3A_239 = arith.muli %add3A_171, %mul3A_238 : i32
      %add3A_240 = arith.constant 0 : i32
      %add3A_241 = arith.addi %add3A_240, %mul3A_239 : i32
      %add3A_242 = arith.constant 48 : i32
      %add3A_243 = arith.addi %add3A_241, %add3A_242 : i32
      %get3A_244 = arith.index_cast %add3A_171 : i32 to index
      %get3A_245 = arith.constant 48 : index
      %get3A_246 = tpu.vector_load %arg10[%get3A_244, %get3A_245] {strides = array<i32>} : memref<72x128xf32, #tpu.memory_space<vmem>>, vector<1x16xf32>,
      %get3A_247 = vector.shape_cast %get3A_246 : vector<1x16xf32> to vector<16xf32>
      %mul3A_248 = arith.mulf %get3A_247, %get3A_25 : vector<16xf32>
      %add3A_249 = arith.addf %mul3A_248, %get3A_28 : vector<16xf32>
      %swap3A_250 = arith.index_cast %add3A_243 : i32 to index
      %swap3A_251 = tpu.vector_load %arg13[%swap3A_250] {strides = array<i32>} : memref<9216xf32, #tpu.memory_space<vmem>>, vector<16xf32>,
      %swap3A_252 = vector.shape_cast %swap3A_251 : vector<16xf32> to vector<16xf32>
      %swap3A_253 = vector.shape_cast %add3A_249 : vector<16xf32> to vector<16xf32>
      tpu.vector_store %arg13[%swap3A_250], %swap3A_253 {strides = array<i32>} : memref<9216xf32, #tpu.memory_space<vmem>>, vector<16xf32>,
      %get3A_254 = arith.index_cast %add3A_243 : i32 to index
      %get3A_255 = tpu.vector_load %arg12[%get3A_254] {strides = array<i32>} : memref<9216xf32, #tpu.memory_space<vmem>>, vector<16xf32>,
      %get3A_256 = vector.shape_cast %get3A_255 : vector<16xf32> to vector<16xf32>
      %sub3A_257 = arith.subf %get3A_256, %add3A_249 : vector<16xf32>
      %mul3A_258 = arith.mulf %sub3A_257, %sub3A_257 : vector<16xf32>
      %add3A_259 = arith.addf %add3A_167, %mul3A_258 : vector<16xf32>
      scf.yield %add3A_193, %add3A_215, %add3A_237, %add3A_259 : vector<16xf32>, vector<16xf32>, vector<16xf32>, vector<16xf32>
    }
    %scan3A_50 = arith.constant 36 : i32
    %dma_wait3A_51 = arith.constant 72 : i32
    %dma_wait3A_52 = tpu.memref_slice %arg9[%dma_wait3A_51] : memref<144xi32, #tpu.memory_space<vmem>> -> memref<72xi32, #tpu.memory_space<vmem>>
    %dma_wait3A_53 = arith.constant 0 : i32
    %dma_wait3A_54 = arith.constant 0 : i32
    %dma_wait3A_55 = tpu.memref_slice %arg3[%dma_wait3A_53, %dma_wait3A_54] : memref<1024x128xf32, #tpu.memory_space<hbm>> -> memref<1024x128xf32, #tpu.memory_space<hbm>>
    tpu.wait_indirect_dma semaphore(%arg18 : memref<!tpu.dma_semaphore, #tpu.memory_space<semaphore_mem>>) src(%dma_wait3A_55 : memref<1024x128xf32, #tpu.memory_space<hbm>>) dst(%arg11 : memref<72x128xf32, #tpu.memory_space<vmem>>)
    %scan3A_56 = arith.constant 0 : i32
    %scan3A_57 = arith.constant 36 : i32
    %scan3A_58 = arith.addi %scan3A_56, %scan3A_57 : i32
    %scan3A_59 = arith.constant 1 : i32
    %scan3A_60:4 = scf.for %scan3A_72 = %scan3A_56 to %scan3A_58 step %scan3A_59 iter_args(%scan3A_73 = %scan3A_49#0, %scan3A_74 = %scan3A_49#1, %scan3A_75 = %scan3A_49#2, %scan3A_76 = %scan3A_49#3) -> (vector<16xf32>, vector<16xf32>, vector<16xf32>, vector<16xf32>)  : i32 {
      %mul3A_77 = arith.constant 2 : i32
      %mul3A_78 = arith.muli %mul3A_77, %scan3A_72 : i32
      %add3A_79 = arith.constant 0 : i32
      %add3A_80 = arith.addi %mul3A_78, %add3A_79 : i32
      %mul3A_81 = arith.constant 64 : i32
      %mul3A_82 = arith.muli %add3A_80, %mul3A_81 : i32
      %add3A_83 = arith.constant 4608 : i32
      %add3A_84 = arith.addi %add3A_83, %mul3A_82 : i32
      %add3A_85 = arith.constant 0 : i32
      %add3A_86 = arith.addi %add3A_84, %add3A_85 : i32
      %get3A_87 = arith.index_cast %add3A_80 : i32 to index
      %get3A_88 = arith.constant 0 : index
      %get3A_89 = tpu.vector_load %arg11[%get3A_87, %get3A_88] {strides = array<i32>} : memref<72x128xf32, #tpu.memory_space<vmem>>, vector<1x16xf32>,
      %get3A_90 = vector.shape_cast %get3A_89 : vector<1x16xf32> to vector<16xf32>
      %mul3A_91 = arith.mulf %get3A_90, %get3A_7 : vector<16xf32>
      %add3A_92 = arith.addf %mul3A_91, %get3A_10 : vector<16xf32>
      %swap3A_93 = arith.index_cast %add3A_86 : i32 to index
      %swap3A_94 = tpu.vector_load %arg13[%swap3A_93] {strides = array<i32>} : memref<9216xf32, #tpu.memory_space<vmem>>, vector<16xf32>,
      %swap3A_95 = vector.shape_cast %swap3A_94 : vector<16xf32> to vector<16xf32>
      %swap3A_96 = vector.shape_cast %add3A_92 : vector<16xf32> to vector<16xf32>
      tpu.vector_store %arg13[%swap3A_93], %swap3A_96 {strides = array<i32>} : memref<9216xf32, #tpu.memory_space<vmem>>, vector<16xf32>,
      %get3A_97 = arith.index_cast %add3A_86 : i32 to index
      %get3A_98 = tpu.vector_load %arg12[%get3A_97] {strides = array<i32>} : memref<9216xf32, #tpu.memory_space<vmem>>, vector<16xf32>,
      %get3A_99 = vector.shape_cast %get3A_98 : vector<16xf32> to vector<16xf32>
      %sub3A = arith.subf %get3A_99, %add3A_92 : vector<16xf32>
      %mul3A_100 = arith.mulf %sub3A, %sub3A : vector<16xf32>
      %add3A_101 = arith.addf %scan3A_73, %mul3A_100 : vector<16xf32>
      %mul3A_102 = arith.constant 64 : i32
      %mul3A_103 = arith.muli %add3A_80, %mul3A_102 : i32
      %add3A_104 = arith.constant 4608 : i32
      %add3A_105 = arith.addi %add3A_104, %mul3A_103 : i32
      %add3A_106 = arith.constant 16 : i32
      %add3A_107 = arith.addi %add3A_105, %add3A_106 : i32
      %get3A_108 = arith.index_cast %add3A_80 : i32 to index
      %get3A_109 = arith.constant 16 : index
      %get3A_110 = tpu.vector_load %arg11[%get3A_108, %get3A_109] {strides = array<i32>} : memref<72x128xf32, #tpu.memory_space<vmem>>, vector<1x16xf32>,
      %get3A_111 = vector.shape_cast %get3A_110 : vector<1x16xf32> to vector<16xf32>
      %mul3A_112 = arith.mulf %get3A_111, %get3A_13 : vector<16xf32>
      %add3A_113 = arith.addf %mul3A_112, %get3A_16 : vector<16xf32>
      %swap3A_114 = arith.index_cast %add3A_107 : i32 to index
      %swap3A_115 = tpu.vector_load %arg13[%swap3A_114] {strides = array<i32>} : memref<9216xf32, #tpu.memory_space<vmem>>, vector<16xf32>,
      %swap3A_116 = vector.shape_cast %swap3A_115 : vector<16xf32> to vector<16xf32>
      %swap3A_117 = vector.shape_cast %add3A_113 : vector<16xf32> to vector<16xf32>
      tpu.vector_store %arg13[%swap3A_114], %swap3A_117 {strides = array<i32>} : memref<9216xf32, #tpu.memory_space<vmem>>, vector<16xf32>,
      %get3A_118 = arith.index_cast %add3A_107 : i32 to index
      %get3A_119 = tpu.vector_load %arg12[%get3A_118] {strides = array<i32>} : memref<9216xf32, #tpu.memory_space<vmem>>, vector<16xf32>,
      %get3A_120 = vector.shape_cast %get3A_119 : vector<16xf32> to vector<16xf32>
      %sub3A_121 = arith.subf %get3A_120, %add3A_113 : vector<16xf32>
      %mul3A_122 = arith.mulf %sub3A_121, %sub3A_121 : vector<16xf32>
      %add3A_123 = arith.addf %scan3A_74, %mul3A_122 : vector<16xf32>
      %mul3A_124 = arith.constant 64 : i32
      %mul3A_125 = arith.muli %add3A_80, %mul3A_124 : i32
      %add3A_126 = arith.constant 4608 : i32
      %add3A_127 = arith.addi %add3A_126, %mul3A_125 : i32
      %add3A_128 = arith.constant 32 : i32
      %add3A_129 = arith.addi %add3A_127, %add3A_128 : i32
      %get3A_130 = arith.index_cast %add3A_80 : i32 to index
      %get3A_131 = arith.constant 32 : index
      %get3A_132 = tpu.vector_load %arg11[%get3A_130, %get3A_131] {strides = array<i32>} : memref<72x128xf32, #tpu.memory_space<vmem>>, vector<1x16xf32>,
      %get3A_133 = vector.shape_cast %get3A_132 : vector<1x16xf32> to vector<16xf32>
      %mul3A_134 = arith.mulf %get3A_133, %get3A_19 : vector<16xf32>
      %add3A_135 = arith.addf %mul3A_134, %get3A_22 : vector<16xf32>
      %swap3A_136 = arith.index_cast %add3A_129 : i32 to index
      %swap3A_137 = tpu.vector_load %arg13[%swap3A_136] {strides = array<i32>} : memref<9216xf32, #tpu.memory_space<vmem>>, vector<16xf32>,
      %swap3A_138 = vector.shape_cast %swap3A_137 : vector<16xf32> to vector<16xf32>
      %swap3A_139 = vector.shape_cast %add3A_135 : vector<16xf32> to vector<16xf32>
      tpu.vector_store %arg13[%swap3A_136], %swap3A_139 {strides = array<i32>} : memref<9216xf32, #tpu.memory_space<vmem>>, vector<16xf32>,
      %get3A_140 = arith.index_cast %add3A_129 : i32 to index
      %get3A_141 = tpu.vector_load %arg12[%get3A_140] {strides = array<i32>} : memref<9216xf32, #tpu.memory_space<vmem>>, vector<16xf32>,
      %get3A_142 = vector.shape_cast %get3A_141 : vector<16xf32> to vector<16xf32>
      %sub3A_143 = arith.subf %get3A_142, %add3A_135 : vector<16xf32>
      %mul3A_144 = arith.mulf %sub3A_143, %sub3A_143 : vector<16xf32>
      %add3A_145 = arith.addf %scan3A_75, %mul3A_144 : vector<16xf32>
      %mul3A_146 = arith.constant 64 : i32
      %mul3A_147 = arith.muli %add3A_80, %mul3A_146 : i32
      %add3A_148 = arith.constant 4608 : i32
      %add3A_149 = arith.addi %add3A_148, %mul3A_147 : i32
      %add3A_150 = arith.constant 48 : i32
      %add3A_151 = arith.addi %add3A_149, %add3A_150 : i32
      %get3A_152 = arith.index_cast %add3A_80 : i32 to index
      %get3A_153 = arith.constant 48 : index
      %get3A_154 = tpu.vector_load %arg11[%get3A_152, %get3A_153] {strides = array<i32>} : memref<72x128xf32, #tpu.memory_space<vmem>>, vector<1x16xf32>,
      %get3A_155 = vector.shape_cast %get3A_154 : vector<1x16xf32> to vector<16xf32>
      %mul3A_156 = arith.mulf %get3A_155, %get3A_25 : vector<16xf32>
      %add3A_157 = arith.addf %mul3A_156, %get3A_28 : vector<16xf32>
      %swap3A_158 = arith.index_cast %add3A_151 : i32 to index
      %swap3A_159 = tpu.vector_load %arg13[%swap3A_158] {strides = array<i32>} : memref<9216xf32, #tpu.memory_space<vmem>>, vector<16xf32>,
      %swap3A_160 = vector.shape_cast %swap3A_159 : vector<16xf32> to vector<16xf32>
      %swap3A_161 = vector.shape_cast %add3A_157 : vector<16xf32> to vector<16xf32>
      tpu.vector_store %arg13[%swap3A_158], %swap3A_161 {strides = array<i32>} : memref<9216xf32, #tpu.memory_space<vmem>>, vector<16xf32>,
      %get3A_162 = arith.index_cast %add3A_151 : i32 to index
      %get3A_163 = tpu.vector_load %arg12[%get3A_162] {strides = array<i32>} : memref<9216xf32, #tpu.memory_space<vmem>>, vector<16xf32>,
      %get3A_164 = vector.shape_cast %get3A_163 : vector<16xf32> to vector<16xf32>
      %sub3A_165 = arith.subf %get3A_164, %add3A_157 : vector<16xf32>
      %mul3A_166 = arith.mulf %sub3A_165, %sub3A_165 : vector<16xf32>
      %add3A_167 = arith.addf %scan3A_76, %mul3A_166 : vector<16xf32>
      %mul3A_168 = arith.constant 2 : i32
      %mul3A_169 = arith.muli %mul3A_168, %scan3A_72 : i32
      %add3A_170 = arith.constant 1 : i32
      %add3A_171 = arith.addi %mul3A_169, %add3A_170 : i32
      %mul3A_172 = arith.constant 64 : i32
      %mul3A_173 = arith.muli %add3A_171, %mul3A_172 : i32
      %add3A_174 = arith.constant 4608 : i32
      %add3A_175 = arith.addi %add3A_174, %mul3A_173 : i32
      %add3A_176 = arith.constant 0 : i32
      %add3A_177 = arith.addi %add3A_175, %add3A_176 : i32
      %get3A_178 = arith.index_cast %add3A_171 : i32 to index
      %get3A_179 = arith.constant 0 : index
      %get3A_180 = tpu.vector_load %arg11[%get3A_178, %get3A_179] {strides = array<i32>} : memref<72x128xf32, #tpu.memory_space<vmem>>, vector<1x16xf32>,
      %get3A_181 = vector.shape_cast %get3A_180 : vector<1x16xf32> to vector<16xf32>
      %mul3A_182 = arith.mulf %get3A_181, %get3A_7 : vector<16xf32>
      %add3A_183 = arith.addf %mul3A_182, %get3A_10 : vector<16xf32>
      %swap3A_184 = arith.index_cast %add3A_177 : i32 to index
      %swap3A_185 = tpu.vector_load %arg13[%swap3A_184] {strides = array<i32>} : memref<9216xf32, #tpu.memory_space<vmem>>, vector<16xf32>,
      %swap3A_186 = vector.shape_cast %swap3A_185 : vector<16xf32> to vector<16xf32>
      %swap3A_187 = vector.shape_cast %add3A_183 : vector<16xf32> to vector<16xf32>
      tpu.vector_store %arg13[%swap3A_184], %swap3A_187 {strides = array<i32>} : memref<9216xf32, #tpu.memory_space<vmem>>, vector<16xf32>,
      %get3A_188 = arith.index_cast %add3A_177 : i32 to index
      %get3A_189 = tpu.vector_load %arg12[%get3A_188] {strides = array<i32>} : memref<9216xf32, #tpu.memory_space<vmem>>, vector<16xf32>,
      %get3A_190 = vector.shape_cast %get3A_189 : vector<16xf32> to vector<16xf32>
      %sub3A_191 = arith.subf %get3A_190, %add3A_183 : vector<16xf32>
      %mul3A_192 = arith.mulf %sub3A_191, %sub3A_191 : vector<16xf32>
      %add3A_193 = arith.addf %add3A_101, %mul3A_192 : vector<16xf32>
      %mul3A_194 = arith.constant 64 : i32
      %mul3A_195 = arith.muli %add3A_171, %mul3A_194 : i32
      %add3A_196 = arith.constant 4608 : i32
      %add3A_197 = arith.addi %add3A_196, %mul3A_195 : i32
      %add3A_198 = arith.constant 16 : i32
      %add3A_199 = arith.addi %add3A_197, %add3A_198 : i32
      %get3A_200 = arith.index_cast %add3A_171 : i32 to index
      %get3A_201 = arith.constant 16 : index
      %get3A_202 = tpu.vector_load %arg11[%get3A_200, %get3A_201] {strides = array<i32>} : memref<72x128xf32, #tpu.memory_space<vmem>>, vector<1x16xf32>,
      %get3A_203 = vector.shape_cast %get3A_202 : vector<1x16xf32> to vector<16xf32>
      %mul3A_204 = arith.mulf %get3A_203, %get3A_13 : vector<16xf32>
      %add3A_205 = arith.addf %mul3A_204, %get3A_16 : vector<16xf32>
      %swap3A_206 = arith.index_cast %add3A_199 : i32 to index
      %swap3A_207 = tpu.vector_load %arg13[%swap3A_206] {strides = array<i32>} : memref<9216xf32, #tpu.memory_space<vmem>>, vector<16xf32>,
      %swap3A_208 = vector.shape_cast %swap3A_207 : vector<16xf32> to vector<16xf32>
      %swap3A_209 = vector.shape_cast %add3A_205 : vector<16xf32> to vector<16xf32>
      tpu.vector_store %arg13[%swap3A_206], %swap3A_209 {strides = array<i32>} : memref<9216xf32, #tpu.memory_space<vmem>>, vector<16xf32>,
      %get3A_210 = arith.index_cast %add3A_199 : i32 to index
      %get3A_211 = tpu.vector_load %arg12[%get3A_210] {strides = array<i32>} : memref<9216xf32, #tpu.memory_space<vmem>>, vector<16xf32>,
      %get3A_212 = vector.shape_cast %get3A_211 : vector<16xf32> to vector<16xf32>
      %sub3A_213 = arith.subf %get3A_212, %add3A_205 : vector<16xf32>
      %mul3A_214 = arith.mulf %sub3A_213, %sub3A_213 : vector<16xf32>
      %add3A_215 = arith.addf %add3A_123, %mul3A_214 : vector<16xf32>
      %mul3A_216 = arith.constant 64 : i32
      %mul3A_217 = arith.muli %add3A_171, %mul3A_216 : i32
      %add3A_218 = arith.constant 4608 : i32
      %add3A_219 = arith.addi %add3A_218, %mul3A_217 : i32
      %add3A_220 = arith.constant 32 : i32
      %add3A_221 = arith.addi %add3A_219, %add3A_220 : i32
      %get3A_222 = arith.index_cast %add3A_171 : i32 to index
      %get3A_223 = arith.constant 32 : index
      %get3A_224 = tpu.vector_load %arg11[%get3A_222, %get3A_223] {strides = array<i32>} : memref<72x128xf32, #tpu.memory_space<vmem>>, vector<1x16xf32>,
      %get3A_225 = vector.shape_cast %get3A_224 : vector<1x16xf32> to vector<16xf32>
      %mul3A_226 = arith.mulf %get3A_225, %get3A_19 : vector<16xf32>
      %add3A_227 = arith.addf %mul3A_226, %get3A_22 : vector<16xf32>
      %swap3A_228 = arith.index_cast %add3A_221 : i32 to index
      %swap3A_229 = tpu.vector_load %arg13[%swap3A_228] {strides = array<i32>} : memref<9216xf32, #tpu.memory_space<vmem>>, vector<16xf32>,
      %swap3A_230 = vector.shape_cast %swap3A_229 : vector<16xf32> to vector<16xf32>
      %swap3A_231 = vector.shape_cast %add3A_227 : vector<16xf32> to vector<16xf32>
      tpu.vector_store %arg13[%swap3A_228], %swap3A_231 {strides = array<i32>} : memref<9216xf32, #tpu.memory_space<vmem>>, vector<16xf32>,
      %get3A_232 = arith.index_cast %add3A_221 : i32 to index
      %get3A_233 = tpu.vector_load %arg12[%get3A_232] {strides = array<i32>} : memref<9216xf32, #tpu.memory_space<vmem>>, vector<16xf32>,
      %get3A_234 = vector.shape_cast %get3A_233 : vector<16xf32> to vector<16xf32>
      %sub3A_235 = arith.subf %get3A_234, %add3A_227 : vector<16xf32>
      %mul3A_236 = arith.mulf %sub3A_235, %sub3A_235 : vector<16xf32>
      %add3A_237 = arith.addf %add3A_145, %mul3A_236 : vector<16xf32>
      %mul3A_238 = arith.constant 64 : i32
      %mul3A_239 = arith.muli %add3A_171, %mul3A_238 : i32
      %add3A_240 = arith.constant 4608 : i32
      %add3A_241 = arith.addi %add3A_240, %mul3A_239 : i32
      %add3A_242 = arith.constant 48 : i32
      %add3A_243 = arith.addi %add3A_241, %add3A_242 : i32
      %get3A_244 = arith.index_cast %add3A_171 : i32 to index
      %get3A_245 = arith.constant 48 : index
      %get3A_246 = tpu.vector_load %arg11[%get3A_244, %get3A_245] {strides = array<i32>} : memref<72x128xf32, #tpu.memory_space<vmem>>, vector<1x16xf32>,
      %get3A_247 = vector.shape_cast %get3A_246 : vector<1x16xf32> to vector<16xf32>
      %mul3A_248 = arith.mulf %get3A_247, %get3A_25 : vector<16xf32>
      %add3A_249 = arith.addf %mul3A_248, %get3A_28 : vector<16xf32>
      %swap3A_250 = arith.index_cast %add3A_243 : i32 to index
      %swap3A_251 = tpu.vector_load %arg13[%swap3A_250] {strides = array<i32>} : memref<9216xf32, #tpu.memory_space<vmem>>, vector<16xf32>,
      %swap3A_252 = vector.shape_cast %swap3A_251 : vector<16xf32> to vector<16xf32>
      %swap3A_253 = vector.shape_cast %add3A_249 : vector<16xf32> to vector<16xf32>
      tpu.vector_store %arg13[%swap3A_250], %swap3A_253 {strides = array<i32>} : memref<9216xf32, #tpu.memory_space<vmem>>, vector<16xf32>,
      %get3A_254 = arith.index_cast %add3A_243 : i32 to index
      %get3A_255 = tpu.vector_load %arg12[%get3A_254] {strides = array<i32>} : memref<9216xf32, #tpu.memory_space<vmem>>, vector<16xf32>,
      %get3A_256 = vector.shape_cast %get3A_255 : vector<16xf32> to vector<16xf32>
      %sub3A_257 = arith.subf %get3A_256, %add3A_249 : vector<16xf32>
      %mul3A_258 = arith.mulf %sub3A_257, %sub3A_257 : vector<16xf32>
      %add3A_259 = arith.addf %add3A_167, %mul3A_258 : vector<16xf32>
      scf.yield %add3A_193, %add3A_215, %add3A_237, %add3A_259 : vector<16xf32>, vector<16xf32>, vector<16xf32>, vector<16xf32>
    }
    %scan3A_61 = arith.constant 36 : i32
    %add3A_62 = arith.addf %scan3A_60#0, %scan3A_60#1 : vector<16xf32>
    %add3A_63 = arith.addf %scan3A_60#2, %scan3A_60#3 : vector<16xf32>
    %add3A_64 = arith.addf %add3A_62, %add3A_63 : vector<16xf32>
    %swap3A = arith.constant 0 : index
    %swap3A_65 = tpu.vector_load %arg16[%swap3A] {strides = array<i32>} : memref<16xf32, #tpu.memory_space<vmem>>, vector<16xf32>,
    %swap3A_66 = vector.shape_cast %swap3A_65 : vector<16xf32> to vector<16xf32>
    %swap3A_67 = vector.shape_cast %add3A_64 : vector<16xf32> to vector<16xf32>
    tpu.vector_store %arg16[%swap3A], %swap3A_67 {strides = array<i32>} : memref<16xf32, #tpu.memory_space<vmem>>, vector<16xf32>,
    %mul3A_68 = arith.constant 64 : i32
    %mul3A_69 = arith.muli %mul3A_2, %mul3A_68 : i32
    "tpu.region"() ({
      %run_scoped3A = tpu.sem_alloc : memref<!tpu.dma_semaphore, #tpu.memory_space<semaphore_mem>>
      %dma_start3A_72 = tpu.memref_slice %arg7[%mul3A_69] : memref<294912xf32, #tpu.memory_space<hbm>> -> memref<9216xf32, #tpu.memory_space<hbm>>
      %dma_start3A_73 = tpu.memref_slice %arg7[%mul3A_69] : memref<294912xf32, #tpu.memory_space<hbm>> -> memref<9216xf32, #tpu.memory_space<hbm>>
      tpu.enqueue_dma source(%arg13 : memref<9216xf32, #tpu.memory_space<vmem>>) target(%dma_start3A_73 : memref<9216xf32, #tpu.memory_space<hbm>>) target_semaphore(%run_scoped3A : memref<!tpu.dma_semaphore, #tpu.memory_space<semaphore_mem>>)
      %dma_wait3A_74 = tpu.memref_slice %arg7[%mul3A_69] : memref<294912xf32, #tpu.memory_space<hbm>> -> memref<9216xf32, #tpu.memory_space<hbm>>
      %dma_wait3A_75 = tpu.memref_slice %arg7[%mul3A_69] : memref<294912xf32, #tpu.memory_space<hbm>> -> memref<9216xf32, #tpu.memory_space<hbm>>
      tpu.wait_dma2 semaphore(%run_scoped3A : memref<!tpu.dma_semaphore, #tpu.memory_space<semaphore_mem>>) src(%arg13 : memref<9216xf32, #tpu.memory_space<vmem>>) dst(%dma_wait3A_75 : memref<9216xf32, #tpu.memory_space<hbm>>)
      tpu.yield
    }) : () -> ()
    %mul3A_70 = arith.constant 16 : i32
    %mul3A_71 = arith.muli %add3A, %mul3A_70 : i32
    "tpu.region"() ({
      %run_scoped3A = tpu.sem_alloc : memref<!tpu.dma_semaphore, #tpu.memory_space<semaphore_mem>>
      %dma_start3A_72 = tpu.memref_slice %arg8[%mul3A_71] : memref<512xf32, #tpu.memory_space<hbm>> -> memref<16xf32, #tpu.memory_space<hbm>>
      %dma_start3A_73 = tpu.memref_slice %arg8[%mul3A_71] : memref<512xf32, #tpu.memory_space<hbm>> -> memref<16xf32, #tpu.memory_space<hbm>>
      tpu.enqueue_dma source(%arg16 : memref<16xf32, #tpu.memory_space<vmem>>) target(%dma_start3A_73 : memref<16xf32, #tpu.memory_space<hbm>>) target_semaphore(%run_scoped3A : memref<!tpu.dma_semaphore, #tpu.memory_space<semaphore_mem>>)
      %dma_wait3A_74 = tpu.memref_slice %arg8[%mul3A_71] : memref<512xf32, #tpu.memory_space<hbm>> -> memref<16xf32, #tpu.memory_space<hbm>>
      %dma_wait3A_75 = tpu.memref_slice %arg8[%mul3A_71] : memref<512xf32, #tpu.memory_space<hbm>> -> memref<16xf32, #tpu.memory_space<hbm>>
      tpu.wait_dma2 semaphore(%run_scoped3A : memref<!tpu.dma_semaphore, #tpu.memory_space<semaphore_mem>>) src(%arg16 : memref<16xf32, #tpu.memory_space<vmem>>) dst(%dma_wait3A_75 : memref<16xf32, #tpu.memory_space<hbm>>)
      tpu.yield
    }) : () -> ()
    return
  }
}

module attributes {stable_mosaic.version = 14 : i64} {
  func.func @_argmin_body(%arg0: i32, %arg1: memref<2304x64xf32, #tpu.memory_space<vmem>>, %arg2: memref<64x1024xf32, #tpu.memory_space<vmem>>, %arg3: memref<1x64xf32, #tpu.memory_space<vmem>>, %arg4: memref<1x64xf32, #tpu.memory_space<vmem>>, %arg5: memref<2304x1xi32, #tpu.memory_space<vmem>>) attributes {dimension_semantics = [#tpu.dimension_semantics<arbitrary>], iteration_bounds = array<i64: 2>, scalar_prefetch = 0 : i64, scratch_operands = 0 : i64, tpu.core_type = #tpu.core_type<tc>, window_params = [{transform_indices = @transform_0, window_bounds = array<i64: 2304, 64>}, {pipeline_mode = #tpu.pipeline_mode<synchronous>, transform_indices = @transform_1, window_bounds = array<i64: 64, 1024>}, {pipeline_mode = #tpu.pipeline_mode<synchronous>, transform_indices = @transform_2, window_bounds = array<i64: 1, 64>}, {pipeline_mode = #tpu.pipeline_mode<synchronous>, transform_indices = @transform_3, window_bounds = array<i64: 1, 64>}, {transform_indices = @transform_4, window_bounds = array<i64: 2304, 1>}]} {
    %get3A = arith.constant 0 : index
    %get3A_0 = arith.constant 0 : index
    %get3A_1 = vector.load %arg1[%get3A, %get3A_0] : memref<2304x64xf32, #tpu.memory_space<vmem>>, vector<2304x64xf32>
    %get3A_2 = arith.constant 0 : index
    %get3A_3 = arith.constant 0 : index
    %get3A_4 = vector.load %arg3[%get3A_2, %get3A_3] : memref<1x64xf32, #tpu.memory_space<vmem>>, vector<1x64xf32>
    %sub3A = vector.broadcast %get3A_4 : vector<1x64xf32> to vector<2304x64xf32>
    %sub3A_5 = arith.subf %get3A_1, %sub3A : vector<2304x64xf32>
    %get3A_6 = arith.constant 0 : index
    %get3A_7 = arith.constant 0 : index
    %get3A_8 = vector.load %arg4[%get3A_6, %get3A_7] : memref<1x64xf32, #tpu.memory_space<vmem>>, vector<1x64xf32>
    %div3A = vector.broadcast %get3A_8 : vector<1x64xf32> to vector<2304x64xf32>
    %div3A_9 = arith.divf %sub3A_5, %div3A : vector<2304x64xf32>
    %get3A_10 = arith.constant 0 : index
    %get3A_11 = arith.constant 0 : index
    %get3A_12 = vector.load %arg2[%get3A_10, %get3A_11] : memref<64x1024xf32, #tpu.memory_space<vmem>>, vector<64x1024xf32>
    %dot_general3A = arith.constant dense<0.000000e+00> : vector<2304x1024xf32>
    %dot_general3A_13 = tpu.matmul %div3A_9, %get3A_12, %dot_general3A {dimension_numbers = #tpu.dot_dimension_numbers<[1], [0], [0], [1], [0, 0, 1, 1], [], []>, transpose_lhs_hint = false} : vector<2304x64xf32>, vector<64x1024xf32>, vector<2304x1024xf32> -> vector<2304x1024xf32>
    %mul3A = arith.mulf %div3A_9, %div3A_9 : vector<2304x64xf32>
    %reduce_sum3A = arith.constant dense<0.000000e+00> : vector<2304xf32>
    %reduce_sum3A_14 = vector.multi_reduction <add>, %mul3A, %reduce_sum3A [1] : vector<2304x64xf32> to vector<2304xf32>
    %broadcast_in_dim3A = vector.shape_cast %reduce_sum3A_14 : vector<2304xf32> to vector<2304x1xf32>
    %mul3A_15 = arith.mulf %get3A_12, %get3A_12 : vector<64x1024xf32>
    %reduce_sum3A_16 = arith.constant dense<0.000000e+00> : vector<1024xf32>
    %reduce_sum3A_17 = vector.multi_reduction <add>, %mul3A_15, %reduce_sum3A_16 [0] : vector<64x1024xf32> to vector<1024xf32>
    %broadcast_in_dim3A_18 = vector.shape_cast %reduce_sum3A_17 : vector<1024xf32> to vector<1x1024xf32>
    %mul3A_19 = arith.constant 2.500000e-01 : f32
    %mul3A_20 = vector.broadcast %mul3A_19 : f32 to vector<1x1024xf32>
    %mul3A_21 = arith.mulf %mul3A_20, %broadcast_in_dim3A_18 : vector<1x1024xf32>
    %add3A = vector.broadcast %broadcast_in_dim3A : vector<2304x1xf32> to vector<2304x1024xf32>
    %add3A_22 = arith.addf %add3A, %dot_general3A_13 : vector<2304x1024xf32>
    %add3A_23 = vector.broadcast %mul3A_21 : vector<1x1024xf32> to vector<2304x1024xf32>
    %add3A_24 = arith.addf %add3A_22, %add3A_23 : vector<2304x1024xf32>
    %reduce_min3A = arith.constant dense<0x7F800000> : vector<2304xf32>
    %reduce_min3A_25 = vector.multi_reduction <minimumf>, %add3A_24, %reduce_min3A [1] : vector<2304x1024xf32> to vector<2304xf32>
    %broadcast_in_dim3A_26 = vector.shape_cast %reduce_min3A_25 : vector<2304xf32> to vector<2304x1xf32>
    %iota3A = tpu.iota {dimensions = array<i32: 1>} : vector<2304x1024xi32>
    %convert_element_type3A = arith.sitofp %iota3A : vector<2304x1024xi32> to vector<2304x1024xf32>
    %eq3A = vector.broadcast %broadcast_in_dim3A_26 : vector<2304x1xf32> to vector<2304x1024xf32>
    %eq3A_27 = arith.cmpf oeq, %add3A_24, %eq3A : vector<2304x1024xf32>
    %jit3A = arith.constant 1.024000e+03 : f32
    %broadcast_in_dim3A_28 = vector.broadcast %jit3A : f32 to vector<2304x1024xf32>
    %select_n3A = arith.select %eq3A_27, %convert_element_type3A, %broadcast_in_dim3A_28 : vector<2304x1024xi1>, vector<2304x1024xf32>
    %reduce_min3A_29 = arith.constant dense<0x7F800000> : vector<2304xf32>
    %reduce_min3A_30 = vector.multi_reduction <minimumf>, %select_n3A, %reduce_min3A_29 [1] : vector<2304x1024xf32> to vector<2304xf32>
    %broadcast_in_dim3A_31 = vector.shape_cast %reduce_min3A_30 : vector<2304xf32> to vector<2304x1xf32>
    %convert_element_type3A_32 = arith.fptosi %broadcast_in_dim3A_31 : vector<2304x1xf32> to vector<2304x1xi32>
    %swap3A = arith.constant 0 : index
    %swap3A_33 = arith.constant 0 : index
    %swap3A_34 = vector.load %arg5[%swap3A, %swap3A_33] : memref<2304x1xi32, #tpu.memory_space<vmem>>, vector<2304x1xi32>
    tpu.vector_store %arg5[%swap3A, %swap3A_33], %convert_element_type3A_32 {strides = array<i32>} : memref<2304x1xi32, #tpu.memory_space<vmem>>, vector<2304x1xi32>,
    return
  }
  func.func @transform_0(%arg0: i32) -> (i32, i32) {
    %c0_i32 = arith.constant 0 : i32
    %c0_i32_0 = arith.constant 0 : i32
    return %arg0, %c0_i32 : i32, i32
  }
  func.func @transform_1(%arg0: i32) -> (i32, i32) {
    %c0_i32 = arith.constant 0 : i32
    %c0_i32_0 = arith.constant 0 : i32
    %c0_i32_1 = arith.constant 0 : i32
    return %c0_i32, %c0_i32_0 : i32, i32
  }
  func.func @transform_2(%arg0: i32) -> (i32, i32) {
    %c0_i32 = arith.constant 0 : i32
    %c0_i32_0 = arith.constant 0 : i32
    %c0_i32_1 = arith.constant 0 : i32
    return %c0_i32, %c0_i32_0 : i32, i32
  }
  func.func @transform_3(%arg0: i32) -> (i32, i32) {
    %c0_i32 = arith.constant 0 : i32
    %c0_i32_0 = arith.constant 0 : i32
    %c0_i32_1 = arith.constant 0 : i32
    return %c0_i32, %c0_i32_0 : i32, i32
  }
  func.func @transform_4(%arg0: i32) -> (i32, i32) {
    %c0_i32 = arith.constant 0 : i32
    %c0_i32_0 = arith.constant 0 : i32
    return %arg0, %c0_i32 : i32, i32
  }
}

module attributes {stable_mosaic.version = 14 : i64} {
  func.func @_fused_body(%arg0: i32, %arg1: memref<2304x64xf32, #tpu.memory_space<vmem>>, %arg2: memref<64x1024xf32, #tpu.memory_space<vmem>>, %arg3: memref<1x64xf32, #tpu.memory_space<vmem>>, %arg4: memref<1x64xf32, #tpu.memory_space<vmem>>, %arg5: memref<2304x64xf32, #tpu.memory_space<vmem>>, %arg6: memref<2304x1xi32, #tpu.memory_space<vmem>>, %arg7: memref<1x1x1xf32, #tpu.memory_space<vmem>>) attributes {dimension_semantics = [#tpu.dimension_semantics<arbitrary>], iteration_bounds = array<i64: 6>, scalar_prefetch = 0 : i64, scratch_operands = 0 : i64, tpu.core_type = #tpu.core_type<tc>, window_params = [{transform_indices = @transform_0, window_bounds = array<i64: 2304, 64>}, {pipeline_mode = #tpu.pipeline_mode<synchronous>, transform_indices = @transform_1, window_bounds = array<i64: 64, 1024>}, {pipeline_mode = #tpu.pipeline_mode<synchronous>, transform_indices = @transform_2, window_bounds = array<i64: 1, 64>}, {pipeline_mode = #tpu.pipeline_mode<synchronous>, transform_indices = @transform_3, window_bounds = array<i64: 1, 64>}, {transform_indices = @transform_4, window_bounds = array<i64: 2304, 64>}, {transform_indices = @transform_5, window_bounds = array<i64: 2304, 1>}, {transform_indices = @transform_6, window_bounds = array<i64: 1, 1, 1>}]} {
    %get3A = arith.constant 0 : index
    %get3A_0 = arith.constant 0 : index
    %get3A_1 = vector.load %arg1[%get3A, %get3A_0] : memref<2304x64xf32, #tpu.memory_space<vmem>>, vector<2304x64xf32>
    %get3A_2 = arith.constant 0 : index
    %get3A_3 = arith.constant 0 : index
    %get3A_4 = vector.load %arg3[%get3A_2, %get3A_3] : memref<1x64xf32, #tpu.memory_space<vmem>>, vector<1x64xf32>
    %get3A_5 = arith.constant 0 : index
    %get3A_6 = arith.constant 0 : index
    %get3A_7 = vector.load %arg4[%get3A_5, %get3A_6] : memref<1x64xf32, #tpu.memory_space<vmem>>, vector<1x64xf32>
    %sub3A = vector.broadcast %get3A_4 : vector<1x64xf32> to vector<2304x64xf32>
    %sub3A_8 = arith.subf %get3A_1, %sub3A : vector<2304x64xf32>
    %div3A = vector.broadcast %get3A_7 : vector<1x64xf32> to vector<2304x64xf32>
    %div3A_9 = arith.divf %sub3A_8, %div3A : vector<2304x64xf32>
    %get3A_10 = arith.constant 0 : index
    %get3A_11 = arith.constant 0 : index
    %get3A_12 = vector.load %arg2[%get3A_10, %get3A_11] : memref<64x1024xf32, #tpu.memory_space<vmem>>, vector<64x1024xf32>
    %dot_general3A = arith.constant dense<0.000000e+00> : vector<2304x1024xf32>
    %dot_general3A_13 = tpu.matmul %div3A_9, %get3A_12, %dot_general3A {dimension_numbers = #tpu.dot_dimension_numbers<[1], [0], [0], [1], [0, 0, 1, 1], [], []>, transpose_lhs_hint = false} : vector<2304x64xf32>, vector<64x1024xf32>, vector<2304x1024xf32> -> vector<2304x1024xf32>
    %mul3A = arith.mulf %div3A_9, %div3A_9 : vector<2304x64xf32>
    %reduce_sum3A = arith.constant dense<0.000000e+00> : vector<2304xf32>
    %reduce_sum3A_14 = vector.multi_reduction <add>, %mul3A, %reduce_sum3A [1] : vector<2304x64xf32> to vector<2304xf32>
    %broadcast_in_dim3A = vector.shape_cast %reduce_sum3A_14 : vector<2304xf32> to vector<2304x1xf32>
    %mul3A_15 = arith.mulf %get3A_12, %get3A_12 : vector<64x1024xf32>
    %reduce_sum3A_16 = arith.constant dense<0.000000e+00> : vector<1024xf32>
    %reduce_sum3A_17 = vector.multi_reduction <add>, %mul3A_15, %reduce_sum3A_16 [0] : vector<64x1024xf32> to vector<1024xf32>
    %broadcast_in_dim3A_18 = vector.shape_cast %reduce_sum3A_17 : vector<1024xf32> to vector<1x1024xf32>
    %mul3A_19 = arith.constant 2.500000e-01 : f32
    %mul3A_20 = vector.broadcast %mul3A_19 : f32 to vector<1x1024xf32>
    %mul3A_21 = arith.mulf %mul3A_20, %broadcast_in_dim3A_18 : vector<1x1024xf32>
    %add3A = vector.broadcast %broadcast_in_dim3A : vector<2304x1xf32> to vector<2304x1024xf32>
    %add3A_22 = arith.addf %add3A, %dot_general3A_13 : vector<2304x1024xf32>
    %add3A_23 = vector.broadcast %mul3A_21 : vector<1x1024xf32> to vector<2304x1024xf32>
    %add3A_24 = arith.addf %add3A_22, %add3A_23 : vector<2304x1024xf32>
    %reduce_min3A = arith.constant dense<0x7F800000> : vector<2304xf32>
    %reduce_min3A_25 = vector.multi_reduction <minimumf>, %add3A_24, %reduce_min3A [1] : vector<2304x1024xf32> to vector<2304xf32>
    %broadcast_in_dim3A_26 = vector.shape_cast %reduce_min3A_25 : vector<2304xf32> to vector<2304x1xf32>
    %iota3A = tpu.iota {dimensions = array<i32: 1>} : vector<2304x1024xi32>
    %convert_element_type3A = arith.sitofp %iota3A : vector<2304x1024xi32> to vector<2304x1024xf32>
    %eq3A = vector.broadcast %broadcast_in_dim3A_26 : vector<2304x1xf32> to vector<2304x1024xf32>
    %eq3A_27 = arith.cmpf oeq, %add3A_24, %eq3A : vector<2304x1024xf32>
    %jit3A = arith.constant 1.024000e+03 : f32
    %broadcast_in_dim3A_28 = vector.broadcast %jit3A : f32 to vector<2304x1024xf32>
    %select_n3A = arith.select %eq3A_27, %convert_element_type3A, %broadcast_in_dim3A_28 : vector<2304x1024xi1>, vector<2304x1024xf32>
    %reduce_min3A_29 = arith.constant dense<0x7F800000> : vector<2304xf32>
    %reduce_min3A_30 = vector.multi_reduction <minimumf>, %select_n3A, %reduce_min3A_29 [1] : vector<2304x1024xf32> to vector<2304xf32>
    %broadcast_in_dim3A_31 = vector.shape_cast %reduce_min3A_30 : vector<2304xf32> to vector<2304x1xf32>
    %convert_element_type3A_32 = arith.fptosi %broadcast_in_dim3A_31 : vector<2304x1xf32> to vector<2304x1xi32>
    %swap3A = arith.constant 0 : index
    %swap3A_33 = arith.constant 0 : index
    %swap3A_34 = vector.load %arg6[%swap3A, %swap3A_33] : memref<2304x1xi32, #tpu.memory_space<vmem>>, vector<2304x1xi32>
    tpu.vector_store %arg6[%swap3A, %swap3A_33], %convert_element_type3A_32 {strides = array<i32>} : memref<2304x1xi32, #tpu.memory_space<vmem>>, vector<2304x1xi32>,
    %eq3A_35 = vector.broadcast %broadcast_in_dim3A_31 : vector<2304x1xf32> to vector<2304x1024xf32>
    %eq3A_36 = arith.cmpf oeq, %convert_element_type3A, %eq3A_35 : vector<2304x1024xf32>
    %convert_element_type3A_37 = arith.extui %eq3A_36 : vector<2304x1024xi1> to vector<2304x1024xi32>
    %convert_element_type3A_38 = arith.sitofp %convert_element_type3A_37 : vector<2304x1024xi32> to vector<2304x1024xf32>
    %dot_general3A_39 = arith.constant dense<0.000000e+00> : vector<2304x64xf32>
    %dot_general3A_40 = tpu.matmul %convert_element_type3A_38, %get3A_12, %dot_general3A_39 {dimension_numbers = #tpu.dot_dimension_numbers<[1], [1], [0], [0], [0, 0, 1, 0], [], []>, transpose_lhs_hint = false} : vector<2304x1024xf32>, vector<64x1024xf32>, vector<2304x64xf32> -> vector<2304x64xf32>
    %mul3A_41 = arith.constant -5.000000e-01 : f32
    %mul3A_42 = vector.broadcast %mul3A_41 : f32 to vector<1x64xf32>
    %mul3A_43 = arith.mulf %mul3A_42, %get3A_7 : vector<1x64xf32>
    %mul3A_44 = vector.broadcast %mul3A_43 : vector<1x64xf32> to vector<2304x64xf32>
    %mul3A_45 = arith.mulf %dot_general3A_40, %mul3A_44 : vector<2304x64xf32>
    %add3A_46 = vector.broadcast %get3A_4 : vector<1x64xf32> to vector<2304x64xf32>
    %add3A_47 = arith.addf %mul3A_45, %add3A_46 : vector<2304x64xf32>
    %swap3A_48 = arith.constant 0 : index
    %swap3A_49 = arith.constant 0 : index
    %swap3A_50 = vector.load %arg5[%swap3A_48, %swap3A_49] : memref<2304x64xf32, #tpu.memory_space<vmem>>, vector<2304x64xf32>
    tpu.vector_store %arg5[%swap3A_48, %swap3A_49], %add3A_47 {strides = array<i32>} : memref<2304x64xf32, #tpu.memory_space<vmem>>, vector<2304x64xf32>,
    %sub3A_51 = arith.subf %get3A_1, %add3A_47 : vector<2304x64xf32>
    %integer_pow3A = arith.mulf %sub3A_51, %sub3A_51 : vector<2304x64xf32>
    %reduce_sum3A_52 = vector.shape_cast %integer_pow3A : vector<2304x64xf32> to vector<1x2304x64xf32>
    %reduce_sum3A_53 = arith.constant dense<0.000000e+00> : vector<1xf32>
    %reduce_sum3A_54 = vector.multi_reduction <add>, %reduce_sum3A_52, %reduce_sum3A_53 [1, 2] : vector<1x2304x64xf32> to vector<1xf32>
    %reduce_sum3A_55 = vector.shape_cast %reduce_sum3A_54 : vector<1xf32> to vector<1x1x1xf32>
    %reduce_sum3A_56 = vector.extract %reduce_sum3A_55[0, 0, 0] : f32 from vector<1x1x1xf32>
    %reshape3A = vector.broadcast %reduce_sum3A_56 : f32 to vector<1x1x1xf32>
    %swap3A_57 = arith.constant 0 : index
    %swap3A_58 = arith.constant 0 : index
    %swap3A_59 = arith.constant 0 : index
    %swap3A_60 = vector.load %arg7[%swap3A_57, %swap3A_58, %swap3A_59] : memref<1x1x1xf32, #tpu.memory_space<vmem>>, vector<1x1x1xf32>
    tpu.vector_store %arg7[%swap3A_57, %swap3A_58, %swap3A_59], %reshape3A {strides = array<i32>} : memref<1x1x1xf32, #tpu.memory_space<vmem>>, vector<1x1x1xf32>,
    return
  }
  func.func @transform_0(%arg0: i32) -> (i32, i32) {
    %c0_i32 = arith.constant 0 : i32
    %c0_i32_0 = arith.constant 0 : i32
    return %arg0, %c0_i32 : i32, i32
  }
  func.func @transform_1(%arg0: i32) -> (i32, i32) {
    %c0_i32 = arith.constant 0 : i32
    %c0_i32_0 = arith.constant 0 : i32
    %c0_i32_1 = arith.constant 0 : i32
    return %c0_i32, %c0_i32_0 : i32, i32
  }
  func.func @transform_2(%arg0: i32) -> (i32, i32) {
    %c0_i32 = arith.constant 0 : i32
    %c0_i32_0 = arith.constant 0 : i32
    %c0_i32_1 = arith.constant 0 : i32
    return %c0_i32, %c0_i32_0 : i32, i32
  }
  func.func @transform_3(%arg0: i32) -> (i32, i32) {
    %c0_i32 = arith.constant 0 : i32
    %c0_i32_0 = arith.constant 0 : i32
    %c0_i32_1 = arith.constant 0 : i32
    return %c0_i32, %c0_i32_0 : i32, i32
  }
  func.func @transform_4(%arg0: i32) -> (i32, i32) {
    %c0_i32 = arith.constant 0 : i32
    %c0_i32_0 = arith.constant 0 : i32
    return %arg0, %c0_i32 : i32, i32
  }
  func.func @transform_5(%arg0: i32) -> (i32, i32) {
    %c0_i32 = arith.constant 0 : i32
    %c0_i32_0 = arith.constant 0 : i32
    return %arg0, %c0_i32 : i32, i32
  }
  func.func @transform_6(%arg0: i32) -> (i32, i32, i32) {
    %c0_i32 = arith.constant 0 : i32
    %c0_i32_0 = arith.constant 0 : i32
    %c0_i32_1 = arith.constant 0 : i32
    return %arg0, %c0_i32, %c0_i32_0 : i32, i32, i32
  }
}

</mosaic_0001>

<sc_bundles>
// kernel: kernel.5.cloned.1.call-start
scs
__scs_entry_jumppad:
0x0: {  	(pc) =	sbr.rel $0x88, $3  }
0x1: {  	(tag) =	ssettag $0x0;
	lr =	simm.s32 $0x1  }
0x2: {  	[smem:$0x3F9D] =	sst lr;
	_ =	strace $0xD0000000  }
0x3: {  	_ = 	snop  }
0x4: {  	_ = 	snop  }
0x5: {  	_ = 	snop  }
0x6: {  	_ = 	snop  }
0x7: {  	_ = 	snop  }
__scs_overlays_trampoline_lowered:
0x8: {  	[smem:$0x3FAC] =	sst s0  }
0x9: {  	[smem:$0x3FAD] =	sst s1  }
0xa: {  	[smem:$0x3FAE] =	sst s2  }
0xb: {  	[smem:$0x3FAF] =	sst s3  }
0xc: {  	[smem:$0x3FB0] =	sst s4  }
0xd: {  	[smem:$0x3FB1] =	sst s5  }
0xe: {  	[smem:$0x3FB2] =	sst s6  }
0xf: {  	[smem:$0x3FB3] =	sst s7  }
0x10: {  	[smem:$0x3FB4] =	sst s8  }
0x11: {  	[smem:$0x3FB5] =	sst s9;
	s0 =	simm.s32 @!p0 $0x0  }
0x12: {  	s1 =	sld [smem:$0x3F9B];
	s0 =	simm.s32 @p0 $0x1  }
0x13: {  	[smem:$0x3FB6] =	sst s0;
	s0 =	simm.s32 @!p1 $0x0  }
0x14: {  	s2 =	sld [smem:$0x3F9A];
	s0 =	simm.s32 @p1 $0x1  }
0x15: {  	[smem:$0x3FB7] =	sst s0;
	s0 =	simm.s32 @!p2 $0x0  }
0x16: {  	s3 =	sld [smem:$0x3FDB];
	s0 =	simm.s32 @p2 $0x1  }
0x17: {  	s4 =	simm.s32 $0x1BF5;
	[smem:$0x3FB9] =	sst s0  }
0x18: {  	s0 =	sld [smem:$0x3F9C];
	_ =	swait.ge [sflag:s4], $0x0  }
0x19: {  	s7 =	sld [smem:$0x3F9D]  }
0x1a: {  	s8 =	sadd.s32 $0xFFFFE003, lr  }
0x1b: {  	s9 =	sadd.s32 $0xFFFFFEF7, lr;
	s5 =	simm.s32 $0xFFFFFFFF;
	p2 =	slt.u32 s8, $0xFFFFF086  }
0x1c: {  	p1 =	slt.u32 s9, $0xF7A;
	s5 =	simm.s32 @!p2 $0x0  }
0x1d: {  	s5 =	simm.s32 @p1 $0x1;
	p0 =	seq.s32 s7, s2  }
0x1e: {  	s7 =	smul.u32 @!p0 $0xF7A, s2;
	p2 =	seq.s32 @!p0 s5, $0x0  }
0x1f: {  	s9 =	smul.u32 $0xF7A, s1;
	s8 =	simm.s32 @!p0 $0x1BF5;
	p2 =	por !p2, p0  }
0x20: {  	[sflag:s8] =	ssyncset.s32 @!p0 $0xFFFFF086;
	s6 =	sadd.s32 @!p0 s3, s7;
	s7 =	simm.s32 @!p0 $0x108  }
0x21: {  	s3 =	sadd.s32 s3, s9;
	s6 =	sadd.s32 @!p0 $0x88, s6;
	s7 =	simm.s32 @p2 $0x1082  }
0x22: {  	[simem:s7], [sflag:s8] =	dma.local @!p0 [hbm:s6], $0xF7A  }
0x23: {  	s9 =	sor.u32 $0xD0000000, s2;
	s6 =	simm.s32 $0x108;
	_ =	swait.ge @!p0 [sflag:s8], $0x0  }
0x24: {  	s3 =	sadd.s32 $0x88, s3;
	s6 =	simm.s32 @!p1 $0x1082;
	[sflag:s4] =	ssyncset.s32 $0xFFFFF086  }
0x25: {  	[simem:s6], [sflag:s4] =	dma.local [hbm:s3], $0xF7A  }
0x26: {  	[smem:$0x3F9D] =	sst s1;
	(tag) =	ssettag s2;
	_ =	strace s9  }
0x27: {  	s1 =	sld [smem:$0x3FAD]  }
0x28: {  	s2 =	sld [smem:$0x3FAE]  }
0x29: {  	s4 =	sld [smem:$0x3FB0]  }
0x2a: {  	p0 =	seq.s32 s5, $0x0;
	s5 =	sld [smem:$0x3FB1]  }
0x2b: {  	s6 =	sld [smem:$0x3FB2]  }
0x2c: {  	s7 =	sld [smem:$0x3FB3]  }
0x2d: {  	s3 =	simm.s32 $0x108;
	s8 =	sld [smem:$0x3FB4]  }
0x2e: {  	s3 =	simm.s32 @!p0 $0x1082;
	s9 =	sld [smem:$0x3FB5]  }
0x2f: {  	lr =	sadd.s32 s0, s3;
	s0 =	sld [smem:$0x3FAC]  }
0x30: {  	s3 =	sld [smem:$0x3FAF]  }
0x31: {  	[smem:$0x3FB8] =	sst s10  }
0x32: {  	s10 =	sld [smem:$0x3FB6];
	_ =	sdelay $0x3  }
0x33: {  	p0 =	seq.s32 s10, $0x1;
	s10 =	sld [smem:$0x3FB8];
	_ =	sdelay $0x3  }
0x34: {  	[smem:$0x3FB8] =	sst s10  }
0x35: {  	s10 =	sld [smem:$0x3FB7];
	_ =	sdelay $0x3  }
0x36: {  	p1 =	seq.s32 s10, $0x1;
	s10 =	sld [smem:$0x3FB8];
	_ =	sdelay $0x3  }
0x37: {  	[smem:$0x3FB8] =	sst s10  }
0x38: {  	s10 =	sld [smem:$0x3FB9]  }
0x39: {  	_ = 	snop;
	(pc) =	sbr.ind lr, $3  }
0x3a: {  	_ = 	snop  }
0x3b: {  	_ = 	snop  }
0x3c: {  	p2 =	seq.s32 s10, $0x1;
	s10 =	sld [smem:$0x3FB8]  }
0x3d: {  	_ =	shalt  }
0x3e: {  	_ =	shalt  }
0x3f: {  	_ =	shalt  }
0x40: {  	_ =	shalt  }
0x41: {  	_ =	shalt  }
0x42: {  	_ =	shalt  }
0x43: {  	_ =	shalt  }
0x44: {  	_ =	shalt  }
0x45: {  	_ =	shalt  }
0x46: {  	_ =	shalt  }
0x47: {  	_ =	shalt  }
0x48: {  	_ =	shalt  }
0x49: {  	_ =	shalt  }
0x4a: {  	_ =	shalt  }
0x4b: {  	_ =	shalt  }
0x4c: {  	_ =	shalt  }
0x4d: {  	_ =	shalt  }
0x4e: {  	_ =	shalt  }
0x4f: {  	_ =	shalt  }
0x50: {  	_ =	shalt  }
0x51: {  	_ =	shalt  }
0x52: {  	_ =	shalt  }
0x53: {  	_ =	shalt  }
0x54: {  	_ =	shalt  }
0x55: {  	_ =	shalt  }
0x56: {  	_ =	shalt  }
0x57: {  	_ =	shalt  }
0x58: {  	_ =	shalt  }
0x59: {  	_ =	shalt  }
0x5a: {  	_ =	shalt  }
0x5b: {  	_ =	shalt  }
0x5c: {  	_ =	shalt  }
0x5d: {  	_ =	shalt  }
0x5e: {  	_ =	shalt  }
0x5f: {  	_ =	shalt  }
0x60: {  	_ =	shalt  }
0x61: {  	_ =	shalt  }
0x62: {  	_ =	shalt  }
0x63: {  	_ =	shalt  }
0x64: {  	_ =	shalt  }
0x65: {  	_ =	shalt  }
0x66: {  	_ =	shalt  }
0x67: {  	_ =	shalt  }
0x68: {  	_ =	shalt  }
0x69: {  	_ =	shalt  }
0x6a: {  	_ =	shalt  }
0x6b: {  	_ =	shalt  }
0x6c: {  	_ =	shalt  }
0x6d: {  	_ =	shalt  }
0x6e: {  	_ =	shalt  }
0x6f: {  	_ =	shalt  }
0x70: {  	_ =	shalt  }
0x71: {  	_ =	shalt  }
0x72: {  	_ =	shalt  }
0x73: {  	_ =	shalt  }
0x74: {  	_ =	shalt  }
0x75: {  	_ =	shalt  }
0x76: {  	_ =	shalt  }
0x77: {  	_ =	shalt  }
0x78: {  	_ =	shalt  }
0x79: {  	_ =	shalt  }
0x7a: {  	_ =	shalt  }
0x7b: {  	_ =	shalt  }
0x7c: {  	_ =	shalt  }
0x7d: {  	_ =	shalt  }
0x7e: {  	_ =	shalt  }
0x7f: {  	_ =	shalt  }
0x80: {  	_ =	shalt  }
0x81: {  	_ =	shalt  }
0x82: {  	_ =	shalt  }
0x83: {  	_ =	shalt  }
0x84: {  	_ =	shalt  }
0x85: {  	_ =	shalt  }
0x86: {  	_ =	shalt  }
0x87: {  	_ =	shalt  }
.Lfunc_end0:
.L_simem_size_0:
called_computation_lowered:
.L_overlay_start_0:
0x88: {  	s2 =	sld [smem:$0x3FD9]  }
0x89: {  	s3 =	sld [smem:$0x3FFE];
	_ =	sdelay $0x1  }
0x8a: {  	s1 =	srdreg.scid  }
0x8b: {  	s0 =	sand.u32 $0x1, s1  }
0x8c: {  	s14 =	sshll.u32 s0, $0xA;
	s2 =	sadd.s32 s3, s2  }
0x8d: {  	s2 =	sadd.s32 s2, s14  }
0x8e: {  	[smem:$0x3FC4] =	sst s2  }
0x8f: {  	_ = 	snop  }
0x90: {  	s2 =	sld [smem:$0x3FD0];
	_ =	sdelay $0x1  }
0x91: {  	s15 =	sld [smem:$0x3FC7]  }
0x92: {  	s5 =	simm.s32 $0xA;
	s6 =	simm.s32 $0x10;
	s4 =	sld [smem:$0x3FC6]  }
0x93: {  	[smem:s6], [sflag:s5] =	dma.local [hbm:s2], $0x1  }
0x94: {  	_ =	swait.eq [sflag:s5], $0x1  }
0x95: {  	[sflag:s5] =	ssyncset.done $0x0  }
0x96: {  	[sflag:s5] =	ssyncadd.s32 $0xFFFFFFFF  }
0x97: {  	s16 =	sld [smem:$0x10];
	(tm) =	ssettm $0x1  }
0x98: {  	s17 =	sld [smem:$0x3FFB];
	_ =	sdelay $0x3  }
0x99: {  	_ =	strace s17  }
0x9a: {  	s5 =	sld [smem:$0x3FFC];
	_ =	sdelay $0x3  }
0x9b: {  	_ =	strace s5  }
0x9c: {  	s5 =	sld [smem:$0x3FFD];
	_ =	sdelay $0x3  }
0x9d: {  	_ =	strace s5  }
0x9e: {  	_ =	strace $0x8FFFFFFF  }
0x9f: {  	s18 =	sld [smem:$0x3FDB];
	_ =	sdelay $0x1  }
0xa0: {  	s19 =	simm.s32 $_scs_section_size  }
0xa1: {  	s7 =	simm.s32 $_size__tile_overlayer_lowered;
	s8 =	simm.s32 $_tile_overlayer_lowered  }
0xa2: {  	s22 =	simm.s32 $0x1BFF;
	s21 =	sshll.u32 s8, $0x1;
	s5 =	sadd.s32 s19, s18  }
0xa3: {  	s9 =	simm.s32 $0x0;
	s20 =	sshll.u32 s7, $0x1;
	s7 =	sadd.s32 s21, s5  }
0xa4: {  	[timem:s9], [sflag:s22] =	dma.local [hbm:s7], s20  }
0xa5: {  	_ =	swait.ge [sflag:s22], s20  }
0xa6: {  	s6 =	ssub.s32 $0x0, s20;
	[sflag:s22] =	ssyncset.done $0x0  }
0xa7: {  	[sflag:s22] =	ssyncadd.s32 s6;
	_ =	sdelay $0x1  }
0xa8: {  	s23 =	simm.s32 $0x1B8B  }
0xa9: {  	_ =	swait.ge [sflag:s23], $0x1  }
0xaa: {  	[sflag:s23] =	ssyncset.done $0x0  }
0xab: {  	s25 =	simm.s32 $0x1B8E;
	s24 =	sld [smem:$0x3FFE];
	[sflag:s23] =	ssyncadd.s32 $0xFFFFFFFF  }
0xac: {  	s26 =	simm.s32 $execute0_lowered;
	[smem:$0x3FD2] =	sst s25  }
0xad: {  	s7 =	sshll.u32 s26, $0x1;
	_ =	strace $0x80000046;
	[dreg:$0x1] =	wrdreg $0xFFFFFFFF  }
0xae: {  	s28 =	simm.s32 $_size_execute0_lowered;
	s5 =	sadd.s32 s5, s7;
	[dreg:$0x0] =	wrdreg $0x0  }
0xaf: {  	s7 =	sshll.u32 s28, $0x1;
	[dreg:$0x2] =	wrdreg s5  }
0xb0: {  	[dreg:$0x3] =	wrdreg s7  }
0xb1: {  	[dreg:$0x4] =	wrdreg $0xC0  }
0xb2: {  	_ =	task [dreg:s9], $0x5FFFF  }
0xb3: {  	[dreg:$0x1] =	wrdreg $0xFFFFFFFF  }
0xb4: {  	[dreg:$0x0] =	wrdreg $0x60  }
0xb5: {  	[dreg:$0x2] =	wrdreg s24  }
0xb6: {  	[dreg:$0x3] =	wrdreg s16  }
0xb7: {  	[dreg:$0x4] =	wrdreg s15  }
0xb8: {  	[dreg:$0x5] =	wrdreg s4  }
0xb9: {  	[dreg:$0x6] =	wrdreg $0x9  }
0xba: {  	_ =	task.clear_ibuf [dreg:s9], $0x7FFFF;
	_ =	strace $0x90000046  }
0xbb: {  	s29 =	simm.s32 $0x9;
	_ =	strace $0x80000048  }
0xbc: {  	_ =	swait.ge [sflag:s29], $0x1  }
0xbd: {  	[sflag:s29] =	ssyncadd.s32 $0xFFFFFFFF  }
0xbe: {  	_ =	strace $0x90000048  }
0xbf: {  	_ =	sfence  }
0xc0: {  	s30 =	sld [smem:$0x0];
	_ =	sdelay $0x2  }
0xc1: {  	s31 =	sshll.u32 s1, $0xD;
	s1 =	sshrl.u32 s1, $0x2  }
0xc2: {  	s3 =	sand.u32 $0x4000, s31;
	s1 =	sadd.s32 s1, s30  }
0xc3: {  	s0 =	sor.u32 s3, s0;
	s1 =	sshll.u32 s1, $0x11  }
0xc4: {  	s0 =	sor.u32 s1, s0  }
0xc5: {  	s0 =	sadd.s32 $0x8F2B, s0  }
0xc6: {  	[sflag:s0] =	ssyncadd.remote.s32 $0x1  }
0xc7: {  	_ =	sfence.sel $0xFFFF  }
0xc8: {  	[dreg:$0x0] =	wrdreg $0xFFFFFFFF;
	(pc) =	sbr.abs _section_cstart, $3  }
0xc9: {  	[dreg:$0x1] =	wrdreg $0xFFFFFFFF  }
0xca: {  	_ =	task.clear_ibuf [dreg:s9], $0x2FFFF;
	_ =	strace $0x9FFFFFFF  }
0xcb: {  	(tm) =	ssettm $0x7FFFFFFF  }
tec
execute0_lowered:
.L_overlay_start_1:
0x0: {  	(tag) =	ssettag $0x1  }
0x1: {  	s6 =	rddreg [dreg:$0x0]  }
0x2: {  	s7 =	rddreg [dreg:$0x1]  }
0x3: {  	s2 =	rddreg [dreg:$0x2]  }
0x4: {  	s1 =	srdreg.scid;
	s0 =	stileid.u32  }
0x5: {  	s3 =	rddreg [dreg:$0x3];
	s4 =	simm.s32 $0x0;
	s15 =	simm.s32 $0x48  }
0x6: {  	s16 =	simm.s32 $0x100;
	s17 =	simm.s32 $0x3;
	s18 =	simm.s32 $0x1  }
0x7: {  	s19 =	simm.s32 $0x2500;
	s20 =	simm.s32 $0x2;
	s21 =	simm.s32 $0x6D00  }
0x8: {  	s22 =	simm.s32 $0x9200;
	s5 =	sand.u32 $0x1, s1;
	s8 =	sshll.u32 s0, $0x1  }
0x9: {  	s23 =	simm.s32 $0x0;
	[smem:$0x7FF] =	sst s4;
	s8 =	sor.u32 s5, s8  }
0xa: {  	s1 =	rddreg [dreg:$0x4];
	_ =	strace $0x80000047;
	s9 =	smul.u32 $0x12, s8  }
0xb: {  	s11 =	ssub.s32 $0x2, s5;
	s10 =	smul.u32 $0x480, s8;
	s8 =	sshll.u32 s8, $0x1  }
0xc: {  	s5 =	sadd.s32 $0x400, s6;
	s12 =	sshrl.u32 s11, $0x1;
	s14 =	sadd.s32 s8, s6  }
0xd: {  	s11 =	ssub.s32 s11, s12;
	s12 =	simm.s32 $0x4900;
	s9 =	sadd.s32 s9, s6  }
0xe: {  	s13 =	sadd.s32 s10, s6;
	s7 =	sadd.s32 s7, s10;
	s10 =	smax.u32 s11, $0x1  }
0xf: {  	s11 =	simm.s32 $0x4;
	s6 =	sadd.s32 $0x4400, s9;
	s8 =	sadd.s32 $0x4A00, s13  }
0x10: {  	s9 =	sadd.s32 $0x4800, s14;
	s13 =	simm.s32 $0x9100;
	s14 =	simm.s32 $0x9180  }
.LBB2_1:
0x11: {  	[tilespmem:s4], [sflag:$0x4] =	stream.linear.gather [hbm4b:s6+s4], $0x90, $0x38;
	[tilespmem:$0x9280] =	vst v63  }
0x12: {  	_ =	swait.ge [sflag:s11], $0x90  }
0x13: {  	[sflag:s11] =	ssyncset.done $0x0  }
0x14: {  	[sflag:s11] =	ssyncadd.s32 $0xFFFFFF70  }
0x15: {  	[tilespmem:s12], [sflag:$0x3] =	stream.linear.gather [hbm4b:s7+s4], $0x2400, $0x38;
	[tilespmem:$0x9280] =	vst v63  }
0x16: {  	_ = 	snop  }
0x17: {  	[tilespmem:s13], [sflag:$0x4] =	stream.linear.gather [hbm4b:s2+s4], $0x80, $0x38;
	[tilespmem:$0x9280] =	vst v63  }
0x18: {  	_ =	swait.ge [sflag:s11], $0x80  }
0x19: {  	[sflag:s11] =	ssyncset.done $0x0  }
0x1a: {  	[sflag:s11] =	ssyncadd.s32 $0xFFFFFF80  }
0x1b: {  	[tilespmem:s14], [sflag:$0x4] =	stream.linear.gather [hbm4b:s3+s4], $0x80, $0x38;
	[tilespmem:$0x9280] =	vst v63  }
0x1c: {  	_ =	swait.ge [sflag:s11], $0x80  }
0x1d: {  	[sflag:s11] =	ssyncset.done $0x0  }
0x1e: {  	[sflag:s11] =	ssyncadd.s32 $0xFFFFFF80  }
0x1f: {  	v6 =	vld [tilespmem:$0x9180]  }
0x20: {  	v7 =	vld [tilespmem:$0x9100]  }
0x21: {  	v4 =	vld [tilespmem:$0x9190]  }
0x22: {  	v5 =	vld [tilespmem:$0x9110]  }
0x23: {  	v3 =	vld [tilespmem:$0x91A0]  }
0x24: {  	v2 =	vld [tilespmem:$0x9120]  }
0x25: {  	v1 =	vld [tilespmem:$0x91B0]  }
0x26: {  	v0 =	vld [tilespmem:$0x9130];
	[tilespmem:s16], [sflag:$0x1] =	stream.indirect.gather [hbm4b:s5+s15], $0x80, s4, s15, $0xb8  }
0x27: {  	_ =	swait.ge [sflag:s17], $0x2400  }
0x28: {  	[sflag:s17] =	ssyncset.done $0x0  }
0x29: {  	[sflag:s17] =	ssyncadd.s32 $0xFFFFDC00  }
0x2a: {  	_ =	swait.ge [sflag:s18], $0x2400  }
0x2b: {  	[sflag:s18] =	ssyncset.done $0x0  }
0x2c: {  	s26 =	simm.s32 $0x180;
	[sflag:s18] =	ssyncadd.s32 $0xFFFFDC00  }
0x2d: {  	[tilespmem:s19], [sflag:$0x2] =	stream.indirect.gather [hbm4b:s5+s15], $0x80, s15, s15, $0xb8;
	[tilespmem:$0x9280] =	vst v63  }
0x2e: {  	v8 =	vld [tilespmem:s26+$0xFFFFFF80];
	_ =	sdelay $0x4  }
0x2f: {  	v8 =	vmul.f32 v8, v6;
	_ =	sdelay $0x1  }
0x30: {  	v8 =	vadd.f32 v8, v7  }
0x31: {  	s24 =	simm.s32 $0x6D20  }
0x32: {  	[tilespmem:s24+$0xFFFFFFE0] =	vst v8  }
0x33: {  	v9 =	vld [tilespmem:s26+$0xFFFFFF90];
	_ =	sdelay $0x4  }
0x34: {  	v9 =	vmul.f32 v9, v4;
	_ =	sdelay $0x1  }
0x35: {  	v9 =	vadd.f32 v9, v5  }
0x36: {  	s25 =	simm.s32 $0x4920  }
0x37: {  	v10 =	vld [tilespmem:s25+$0xFFFFFFE0];
	[tilespmem:s24+$0xFFFFFFF0] =	vst v9  }
0x38: {  	v11 =	vld [tilespmem:s26+$0xFFFFFFA0];
	_ =	sdelay $0x4  }
0x39: {  	v11 =	vmul.f32 v11, v3;
	_ =	sdelay $0x1  }
0x3a: {  	v11 =	vadd.f32 v11, v2;
	_ =	sdelay $0x1  }
0x3b: {  	v12 =	vld [tilespmem:s25+$0xFFFFFFF0];
	[tilespmem:s24+$0x0] =	vst v11  }
0x3c: {  	v13 =	vld [tilespmem:s26+$0xFFFFFFB0];
	_ =	sdelay $0x4  }
0x3d: {  	v13 =	vmul.f32 v13, v1;
	_ =	sdelay $0x1  }
0x3e: {  	v13 =	vadd.f32 v13, v0;
	_ =	sdelay $0x1  }
0x3f: {  	v14 =	vld [tilespmem:s25+$0x0];
	[tilespmem:s24+$0x10] =	vst v13  }
0x40: {  	v15 =	vld [tilespmem:s26+$0x0];
	_ =	sdelay $0x4  }
0x41: {  	v15 =	vmul.f32 v15, v6;
	_ =	sdelay $0x1  }
0x42: {  	v15 =	vadd.f32 v15, v7;
	_ =	sdelay $0x1  }
0x43: {  	v16 =	vld [tilespmem:s25+$0x10];
	[tilespmem:s24+$0x20] =	vst v15  }
0x44: {  	v17 =	vld [tilespmem:s26+$0x10];
	_ =	sdelay $0x4  }
0x45: {  	v17 =	vmul.f32 v17, v4;
	_ =	sdelay $0x1  }
0x46: {  	s28 =	simm.s32 $0x40;
	v17 =	vadd.f32 v17, v5  }
0x47: {  	s29 =	sor.u32 $0x50, s28  }
0x48: {  	v18 =	vld [tilespmem:s25+$0x20];
	[tilespmem:s29+$0x6D00] =	vst v17  }
0x49: {  	v19 =	vld [tilespmem:s26+$0x20];
	_ =	sdelay $0x4  }
0x4a: {  	v19 =	vmul.f32 v19, v3;
	_ =	sdelay $0x1  }
0x4b: {  	v19 =	vadd.f32 v19, v2  }
0x4c: {  	v20 =	vld [tilespmem:s29+$0x4900];
	s29 =	sor.u32 $0x60, s28  }
0x4d: {  	[tilespmem:s29+$0x6D00] =	vst v19  }
0x4e: {  	v8 =	vsub.f32 v10, v8;
	v22 =	vld [tilespmem:s26+$0x30]  }
0x4f: {  	v9 =	vsub.f32 v12, v9  }
0x50: {  	v8 =	vmul.f32 v8, v8;
	v21 =	vld [tilespmem:s29+$0x4900]  }
0x51: {  	v62 =	vimm.f32 $0.0e+00;
	s31 =	sor.u32 $0x70, s28;
	v9 =	vmul.f32 v9, v9  }
0x52: {  	v8 =	vadd.f32 v8, v62;
	v10 =	vsub.f32 v14, v11;
	v14 =	vld [tilespmem:s31+$0x4900]  }
0x53: {  	v9 =	vadd.f32 v9, v62;
	v11 =	vsub.f32 v16, v13;
	v61 =	vmul.f32 v22, v1  }
0x54: {  	v10 =	vmul.f32 v10, v10;
	v12 =	vsub.f32 v18, v15;
	v13 =	vsub.f32 v20, v17  }
0x55: {  	v15 =	vsub.f32 v21, v19;
	v16 =	vadd.f32 v61, v0  }
0x56: {  	v63 =	vadd.f32 v10, v62;
	v12 =	vmul.f32 v12, v12;
	v13 =	vmul.f32 v13, v13  }
0x57: {  	v11 =	vmul.f32 v11, v11;
	s28 =	simm.s32 $0x280;
	v15 =	vmul.f32 v15, v15;
	v14 =	vsub.f32 v14, v16;
	[tilespmem:s31+$0x6D00] =	vst v16  }
0x58: {  	v10 =	vadd.f32 v12, v8;
	v8 =	vadd.f32 v13, v9;
	v13 =	vld [tilespmem:s28+$0xFFFFFF80]  }
0x59: {  	v11 =	vadd.f32 v11, v62;
	s29 =	simm.s32 $0x140;
	s26 =	simm.s32 $0xC0;
	v9 =	vadd.f32 v15, v63;
	v12 =	vmul.f32 v14, v14  }
.LBB2_2:
0x5a: {  	_ = 	snop  }
0x5b: {  	p0 =	sne.s32 s29, $0x11C0;
	s24 =	sadd.s32 $0x80, s24;
	s25 =	sadd.s32 $0x80, s25;
	v11 =	vadd.f32 v12, v11  }
0x5c: {  	s30 =	smov.u32 s29;
	s29 =	sadd.s32 $0x80, s29  }
0x5d: {  	v12 =	vmul.f32 v13, v6;
	_ =	sdelay $0x1  }
0x5e: {  	v12 =	vadd.f32 v12, v7;
	_ =	sdelay $0x1  }
0x5f: {  	[tilespmem:s24+$0xFFFFFFE0] =	vst v12  }
0x60: {  	v13 =	vld [tilespmem:s28+$0xFFFFFF90];
	_ =	sdelay $0x4  }
0x61: {  	v13 =	vmul.f32 v13, v4;
	_ =	sdelay $0x1  }
0x62: {  	v13 =	vadd.f32 v13, v5  }
0x63: {  	v14 =	vld [tilespmem:s25+$0xFFFFFFE0]  }
0x64: {  	[tilespmem:s24+$0xFFFFFFF0] =	vst v13  }
0x65: {  	v15 =	vld [tilespmem:s28+$0xFFFFFFA0];
	_ =	sdelay $0x2  }
0x66: {  	v12 =	vsub.f32 v14, v12;
	_ =	sdelay $0x1  }
0x67: {  	v12 =	vmul.f32 v12, v12;
	v14 =	vmul.f32 v15, v3;
	_ =	sdelay $0x1  }
0x68: {  	v14 =	vadd.f32 v14, v2  }
0x69: {  	v15 =	vld [tilespmem:s25+$0xFFFFFFF0]  }
0x6a: {  	[tilespmem:s24+$0x0] =	vst v14  }
0x6b: {  	v16 =	vld [tilespmem:s28+$0xFFFFFFB0];
	_ =	sdelay $0x2  }
0x6c: {  	v13 =	vsub.f32 v15, v13;
	_ =	sdelay $0x1  }
0x6d: {  	v13 =	vmul.f32 v13, v13;
	v15 =	vmul.f32 v16, v1;
	_ =	sdelay $0x1  }
0x6e: {  	v15 =	vadd.f32 v15, v0  }
0x6f: {  	v16 =	vld [tilespmem:s25+$0x0]  }
0x70: {  	[tilespmem:s24+$0x10] =	vst v15  }
0x71: {  	v17 =	vld [tilespmem:s28+$0x0];
	_ =	sdelay $0x2  }
0x72: {  	v14 =	vsub.f32 v16, v14;
	_ =	sdelay $0x1  }
0x73: {  	v14 =	vmul.f32 v14, v14;
	v16 =	vmul.f32 v17, v6;
	_ =	sdelay $0x1  }
0x74: {  	v16 =	vadd.f32 v16, v7  }
0x75: {  	v17 =	vld [tilespmem:s25+$0x10]  }
0x76: {  	[tilespmem:s24+$0x20] =	vst v16  }
0x77: {  	v18 =	vld [tilespmem:s28+$0x10]  }
0x78: {  	s31 =	sor.u32 $0x50, s26;
	v19 =	vld [tilespmem:s25+$0x20]  }
0x79: {  	v20 =	vld [tilespmem:s31+$0x4900]  }
0x7a: {  	v15 =	vsub.f32 v17, v15;
	_ =	sdelay $0x1  }
0x7b: {  	v15 =	vmul.f32 v15, v15;
	v17 =	vmul.f32 v18, v4  }
0x7c: {  	v16 =	vsub.f32 v19, v16  }
0x7d: {  	v17 =	vadd.f32 v17, v5  }
0x7e: {  	v10 =	vadd.f32 v12, v10;
	v12 =	vmul.f32 v16, v16  }
0x7f: {  	[tilespmem:s31+$0x6D00] =	vst v17;
	v16 =	vsub.f32 v20, v17  }
0x80: {  	s31 =	sor.u32 $0x60, s26;
	v10 =	vadd.f32 v12, v10;
	v12 =	vld [tilespmem:s28+$0x20]  }
0x81: {  	v8 =	vadd.f32 v13, v8;
	v13 =	vmul.f32 v16, v16;
	v16 =	vld [tilespmem:s31+$0x4900];
	_ =	sdelay $0x1  }
0x82: {  	v8 =	vadd.f32 v13, v8;
	_ =	sdelay $0x1  }
0x83: {  	v12 =	vmul.f32 v12, v3;
	_ =	sdelay $0x1  }
0x84: {  	v12 =	vadd.f32 v12, v2;
	_ =	sdelay $0x1  }
0x85: {  	[tilespmem:s31+$0x6D00] =	vst v12;
	v12 =	vsub.f32 v16, v12  }
0x86: {  	s31 =	sor.u32 $0x70, s26;
	s26 =	smov.u32 s30;
	v13 =	vld [tilespmem:s28+$0x30]  }
0x87: {  	v9 =	vadd.f32 v14, v9;
	v12 =	vmul.f32 v12, v12;
	v14 =	vld [tilespmem:s31+$0x4900];
	_ =	sdelay $0x1  }
0x88: {  	v9 =	vadd.f32 v12, v9;
	_ =	sdelay $0x1  }
0x89: {  	v12 =	vmul.f32 v13, v1;
	_ =	sdelay $0x1  }
.Ltmp0:
0x8a: {  	v12 =	vadd.f32 v12, v0;
	(pc) =	sbr.rel @p0 .LBB2_2-.Ltmp0, $4  }
0x8b: {  	_ = 	snop  }
0x8c: {  	s28 =	sadd.s32 $0x100, s28;
	[tilespmem:s31+$0x6D00] =	vst v12;
	v12 =	vsub.f32 v14, v12  }
0x8d: {  	v13 =	vld [tilespmem:s28+$0xFFFFFF80]  }
0x8e: {  	v11 =	vadd.f32 v15, v11;
	v12 =	vmul.f32 v12, v12  }
0x8f: {  	_ =	sdelay $0x2  }
0x90: {  	v13 =	vmul.f32 v13, v6;
	_ =	sdelay $0x1  }
0x91: {  	v13 =	vadd.f32 v13, v7  }
0x92: {  	s24 =	sadd.s32 $0x80, s24  }
0x93: {  	[tilespmem:s24+$0xFFFFFFE0] =	vst v13  }
0x94: {  	v14 =	vld [tilespmem:s28+$0xFFFFFF90];
	_ =	sdelay $0x4  }
0x95: {  	v14 =	vmul.f32 v14, v4;
	_ =	sdelay $0x1  }
0x96: {  	v14 =	vadd.f32 v14, v5  }
0x97: {  	s25 =	sadd.s32 $0x80, s25  }
0x98: {  	v15 =	vld [tilespmem:s25+$0xFFFFFFE0];
	[tilespmem:s24+$0xFFFFFFF0] =	vst v14  }
0x99: {  	v16 =	vld [tilespmem:s28+$0xFFFFFFA0];
	_ =	sdelay $0x4  }
0x9a: {  	v16 =	vmul.f32 v16, v3;
	_ =	sdelay $0x1  }
0x9b: {  	v16 =	vadd.f32 v16, v2;
	_ =	sdelay $0x1  }
0x9c: {  	v17 =	vld [tilespmem:s25+$0xFFFFFFF0];
	[tilespmem:s24+$0x0] =	vst v16  }
0x9d: {  	v18 =	vld [tilespmem:s28+$0xFFFFFFB0];
	_ =	sdelay $0x4  }
0x9e: {  	v18 =	vmul.f32 v18, v1;
	_ =	sdelay $0x1  }
0x9f: {  	v18 =	vadd.f32 v18, v0;
	_ =	sdelay $0x1  }
0xa0: {  	v19 =	vld [tilespmem:s25+$0x0];
	[tilespmem:s24+$0x10] =	vst v18  }
0xa1: {  	v20 =	vld [tilespmem:s28+$0x0];
	_ =	sdelay $0x4  }
0xa2: {  	v20 =	vmul.f32 v20, v6;
	_ =	sdelay $0x1  }
0xa3: {  	v20 =	vadd.f32 v20, v7;
	_ =	sdelay $0x1  }
0xa4: {  	v21 =	vld [tilespmem:s25+$0x10];
	[tilespmem:s24+$0x20] =	vst v20  }
0xa5: {  	v22 =	vld [tilespmem:s28+$0x10];
	_ =	sdelay $0x4  }
0xa6: {  	v22 =	vmul.f32 v22, v4;
	_ =	sdelay $0x1  }
0xa7: {  	v22 =	vadd.f32 v22, v5  }
0xa8: {  	s29 =	sor.u32 $0x50, s26  }
0xa9: {  	v23 =	vld [tilespmem:s25+$0x20];
	[tilespmem:s29+$0x6D00] =	vst v22  }
0xaa: {  	v24 =	vld [tilespmem:s28+$0x20];
	_ =	sdelay $0x4  }
0xab: {  	v24 =	vmul.f32 v24, v3;
	_ =	sdelay $0x1  }
0xac: {  	v24 =	vadd.f32 v24, v2  }
0xad: {  	s30 =	sor.u32 $0x60, s26  }
0xae: {  	v25 =	vld [tilespmem:s29+$0x4900];
	[tilespmem:s30+$0x6D00] =	vst v24  }
0xaf: {  	v26 =	vld [tilespmem:s28+$0x30];
	_ =	sdelay $0x4  }
0xb0: {  	v26 =	vmul.f32 v26, v1;
	_ =	sdelay $0x1  }
0xb1: {  	v26 =	vadd.f32 v26, v0  }
0xb2: {  	s31 =	sor.u32 $0x70, s26  }
0xb3: {  	v27 =	vld [tilespmem:s30+$0x4900];
	[tilespmem:s31+$0x6D00] =	vst v26  }
0xb4: {  	v28 =	vld [tilespmem:s31+$0x4900];
	_ =	swait.ge [sflag:s20], $0x2400  }
0xb5: {  	[sflag:s20] =	ssyncset.done $0x0  }
0xb6: {  	s24 =	simm.s32 $0x2580;
	[sflag:s20] =	ssyncadd.s32 $0xFFFFDC00  }
0xb7: {  	v29 =	vld [tilespmem:s24+$0xFFFFFF80];
	_ =	sdelay $0x4  }
0xb8: {  	v29 =	vmul.f32 v29, v6;
	_ =	sdelay $0x1  }
0xb9: {  	v29 =	vadd.f32 v29, v7  }
0xba: {  	s25 =	simm.s32 $0x0  }
0xbb: {  	[tilespmem:s25+$0x7F00] =	vst v29  }
0xbc: {  	v31 =	vld [tilespmem:s24+$0xFFFFFF90];
	_ =	sdelay $0x4  }
0xbd: {  	v31 =	vmul.f32 v31, v4;
	_ =	sdelay $0x1  }
0xbe: {  	v31 =	vadd.f32 v31, v5;
	_ =	sdelay $0x1  }
0xbf: {  	[tilespmem:s25+$0x7F10] =	vst v31  }
0xc0: {  	v33 =	vld [tilespmem:s24+$0xFFFFFFA0];
	_ =	sdelay $0x4  }
0xc1: {  	v33 =	vmul.f32 v33, v3;
	_ =	sdelay $0x1  }
0xc2: {  	v33 =	vadd.f32 v33, v2;
	_ =	sdelay $0x1  }
0xc3: {  	[tilespmem:s25+$0x7F20] =	vst v33  }
0xc4: {  	v35 =	vld [tilespmem:s24+$0xFFFFFFB0];
	_ =	sdelay $0x4  }
0xc5: {  	v35 =	vmul.f32 v35, v1;
	_ =	sdelay $0x1  }
0xc6: {  	v35 =	vadd.f32 v35, v0;
	_ =	sdelay $0x1  }
0xc7: {  	[tilespmem:s25+$0x7F30] =	vst v35  }
0xc8: {  	v37 =	vld [tilespmem:s24+$0x0];
	_ =	sdelay $0x4  }
0xc9: {  	v37 =	vmul.f32 v37, v6;
	_ =	sdelay $0x1  }
0xca: {  	v37 =	vadd.f32 v37, v7;
	_ =	sdelay $0x1  }
0xcb: {  	[tilespmem:s25+$0x7F40] =	vst v37  }
0xcc: {  	v39 =	vld [tilespmem:s24+$0x10];
	_ =	sdelay $0x4  }
0xcd: {  	v11 =	vadd.f32 v12, v11;
	v39 =	vmul.f32 v39, v4  }
0xce: {  	v13 =	vsub.f32 v15, v13;
	v14 =	vsub.f32 v17, v14  }
0xcf: {  	v12 =	vsub.f32 v19, v16;
	v15 =	vadd.f32 v39, v5  }
0xd0: {  	v13 =	vmul.f32 v13, v13  }
0xd1: {  	v14 =	vmul.f32 v14, v14;
	v12 =	vmul.f32 v12, v12;
	v53 =	vsub.f32 v23, v20;
	v30 =	vld [tilespmem:s25+$0x5B00];
	[tilespmem:s25+$0x7F50] =	vst v15  }
0xd2: {  	v10 =	vadd.f32 v13, v10;
	v55 =	vld [tilespmem:s24+$0x20]  }
0xd3: {  	v8 =	vadd.f32 v14, v8;
	v9 =	vadd.f32 v12, v9;
	v13 =	vmul.f32 v53, v53;
	v32 =	vld [tilespmem:s25+$0x5B10]  }
0xd4: {  	v56 =	vsub.f32 v21, v18;
	v57 =	vsub.f32 v25, v22;
	v34 =	vld [tilespmem:s25+$0x5B20]  }
0xd5: {  	v10 =	vadd.f32 v13, v10;
	v13 =	vsub.f32 v27, v24;
	v36 =	vld [tilespmem:s25+$0x5B30]  }
0xd6: {  	v14 =	vmul.f32 v56, v56;
	v58 =	vmul.f32 v57, v57;
	v12 =	vsub.f32 v28, v26;
	v38 =	vld [tilespmem:s25+$0x5B40]  }
0xd7: {  	v13 =	vmul.f32 v13, v13;
	v54 =	vld [tilespmem:s25+$0x5B50];
	v59 =	vsub.f32 v30, v29;
	v16 =	vmul.f32 v55, v3  }
0xd8: {  	v11 =	vadd.f32 v14, v11;
	v8 =	vadd.f32 v58, v8;
	v12 =	vmul.f32 v12, v12;
	v14 =	vld [tilespmem:s25+$0x5B60]  }
0xd9: {  	v9 =	vadd.f32 v13, v9;
	v13 =	vmul.f32 v59, v59;
	v16 =	vadd.f32 v16, v2  }
0xda: {  	v11 =	vadd.f32 v12, v11;
	v12 =	vsub.f32 v32, v31  }
0xdb: {  	v10 =	vadd.f32 v13, v10;
	v13 =	vsub.f32 v34, v33;
	[tilespmem:s25+$0x7F60] =	vst v16  }
0xdc: {  	v12 =	vmul.f32 v12, v12;
	v60 =	vsub.f32 v36, v35;
	v61 =	vsub.f32 v38, v37;
	v62 =	vld [tilespmem:s24+$0x30]  }
0xdd: {  	v13 =	vmul.f32 v13, v13;
	v15 =	vsub.f32 v54, v15;
	v14 =	vsub.f32 v14, v16  }
0xde: {  	v8 =	vadd.f32 v12, v8;
	v12 =	vmul.f32 v60, v60;
	v63 =	vmul.f32 v61, v61  }
0xdf: {  	v13 =	vadd.f32 v13, v9;
	v15 =	vmul.f32 v15, v15;
	v14 =	vmul.f32 v14, v14  }
0xe0: {  	v11 =	vadd.f32 v12, v11;
	v12 =	vld [tilespmem:s25+$0x5B70];
	v9 =	vadd.f32 v63, v10  }
0xe1: {  	v10 =	vadd.f32 v15, v8;
	v8 =	vadd.f32 v14, v13;
	v13 =	vmul.f32 v62, v1  }
0xe2: {  	s26 =	simm.s32 $0x200;
	s28 =	simm.s32 $0x400  }
.LBB2_4:
0xe3: {  	p0 =	sne.s32 s28, $0x4600;
	v13 =	vadd.f32 v13, v0;
	_ =	sdelay $0x1  }
0xe4: {  	s24 =	sadd.s32 $0x100, s24;
	[tilespmem:s25+$0x7F70] =	vst v13;
	v12 =	vsub.f32 v12, v13  }
0xe5: {  	v13 =	vld [tilespmem:s24+$0xFFFFFF80]  }
0xe6: {  	v12 =	vmul.f32 v12, v12;
	_ =	sdelay $0x1  }
0xe7: {  	s25 =	sshra.s32 s26, $0x2;
	s26 =	smov.u32 s28;
	v11 =	vadd.f32 v12, v11  }
0xe8: {  	v12 =	vld [tilespmem:s25+$0x5B00]  }
0xe9: {  	v13 =	vmul.f32 v13, v6;
	_ =	sdelay $0x1  }
0xea: {  	v13 =	vadd.f32 v13, v7;
	_ =	sdelay $0x1  }
0xeb: {  	[tilespmem:s25+$0x7F00] =	vst v13;
	v12 =	vsub.f32 v12, v13  }
0xec: {  	v13 =	vld [tilespmem:s24+$0xFFFFFF90]  }
0xed: {  	v12 =	vmul.f32 v12, v12;
	_ =	sdelay $0x1  }
0xee: {  	v9 =	vadd.f32 v12, v9  }
0xef: {  	v12 =	vld [tilespmem:s25+$0x5B10]  }
0xf0: {  	v13 =	vmul.f32 v13, v4;
	_ =	sdelay $0x1  }
0xf1: {  	v13 =	vadd.f32 v13, v5;
	_ =	sdelay $0x1  }
0xf2: {  	[tilespmem:s25+$0x7F10] =	vst v13;
	v12 =	vsub.f32 v12, v13  }
0xf3: {  	v13 =	vld [tilespmem:s24+$0xFFFFFFA0]  }
0xf4: {  	v12 =	vmul.f32 v12, v12;
	_ =	sdelay $0x1  }
0xf5: {  	v10 =	vadd.f32 v12, v10  }
0xf6: {  	v12 =	vld [tilespmem:s25+$0x5B20]  }
0xf7: {  	v13 =	vmul.f32 v13, v3;
	_ =	sdelay $0x1  }
0xf8: {  	v13 =	vadd.f32 v13, v2;
	_ =	sdelay $0x1  }
0xf9: {  	[tilespmem:s25+$0x7F20] =	vst v13;
	v12 =	vsub.f32 v12, v13  }
0xfa: {  	v13 =	vld [tilespmem:s24+$0xFFFFFFB0]  }
0xfb: {  	v12 =	vmul.f32 v12, v12;
	_ =	sdelay $0x1  }
0xfc: {  	v8 =	vadd.f32 v12, v8  }
0xfd: {  	v12 =	vld [tilespmem:s25+$0x5B30]  }
0xfe: {  	v13 =	vmul.f32 v13, v1;
	_ =	sdelay $0x1  }
0xff: {  	v13 =	vadd.f32 v13, v0;
	_ =	sdelay $0x1  }
0x100: {  	[tilespmem:s25+$0x7F30] =	vst v13;
	v12 =	vsub.f32 v12, v13  }
0x101: {  	v13 =	vld [tilespmem:s24+$0x0]  }
0x102: {  	v12 =	vmul.f32 v12, v12;
	_ =	sdelay $0x1  }
0x103: {  	v11 =	vadd.f32 v12, v11  }
0x104: {  	v12 =	vld [tilespmem:s25+$0x5B40]  }
0x105: {  	v13 =	vmul.f32 v13, v6;
	_ =	sdelay $0x1  }
0x106: {  	v13 =	vadd.f32 v13, v7;
	_ =	sdelay $0x1  }
0x107: {  	[tilespmem:s25+$0x7F40] =	vst v13;
	v12 =	vsub.f32 v12, v13  }
0x108: {  	v13 =	vld [tilespmem:s24+$0x10]  }
0x109: {  	v12 =	vmul.f32 v12, v12;
	_ =	sdelay $0x1  }
0x10a: {  	v9 =	vadd.f32 v12, v9  }
0x10b: {  	v12 =	vld [tilespmem:s25+$0x5B50]  }
0x10c: {  	v13 =	vmul.f32 v13, v4;
	_ =	sdelay $0x1  }
0x10d: {  	v13 =	vadd.f32 v13, v5;
	_ =	sdelay $0x1  }
0x10e: {  	[tilespmem:s25+$0x7F50] =	vst v13;
	v12 =	vsub.f32 v12, v13  }
0x10f: {  	v13 =	vld [tilespmem:s24+$0x20]  }
0x110: {  	v12 =	vmul.f32 v12, v12;
	_ =	sdelay $0x1  }
0x111: {  	v10 =	vadd.f32 v12, v10  }
0x112: {  	v12 =	vld [tilespmem:s25+$0x5B60]  }
0x113: {  	v13 =	vmul.f32 v13, v3;
	_ =	sdelay $0x1  }
0x114: {  	v13 =	vadd.f32 v13, v2;
	_ =	sdelay $0x1  }
0x115: {  	[tilespmem:s25+$0x7F60] =	vst v13;
	v12 =	vsub.f32 v12, v13  }
0x116: {  	v13 =	vld [tilespmem:s24+$0x30]  }
0x117: {  	v12 =	vmul.f32 v12, v12  }
.Ltmp1:
0x118: {  	(pc) =	sbr.rel @p0 .LBB2_4-.Ltmp1, $4  }
0x119: {  	v8 =	vadd.f32 v12, v8  }
0x11a: {  	v12 =	vld [tilespmem:s25+$0x5B70]  }
0x11b: {  	v13 =	vmul.f32 v13, v1  }
0x11c: {  	s28 =	sadd.s32 $0x200, s28  }
0x11d: {  	v13 =	vadd.f32 v13, v0;
	_ =	sdelay $0x1  }
0x11e: {  	s30 =	sadd.s32 $0x100, s24;
	[tilespmem:s25+$0x7F70] =	vst v13  }
0x11f: {  	v14 =	vld [tilespmem:s30+$0xFFFFFF80];
	_ =	sdelay $0x4  }
0x120: {  	v14 =	vmul.f32 v14, v6;
	_ =	sdelay $0x1  }
0x121: {  	v14 =	vadd.f32 v14, v7  }
0x122: {  	s31 =	sshra.s32 s26, $0x2  }
0x123: {  	[tilespmem:s31+$0x7F00] =	vst v14  }
0x124: {  	v15 =	vld [tilespmem:s30+$0xFFFFFF90];
	_ =	sdelay $0x4  }
0x125: {  	v15 =	vmul.f32 v15, v4;
	_ =	sdelay $0x1  }
0x126: {  	v15 =	vadd.f32 v15, v5;
	_ =	sdelay $0x1  }
0x127: {  	[tilespmem:s31+$0x7F10] =	vst v15  }
0x128: {  	v16 =	vld [tilespmem:s30+$0xFFFFFFA0];
	_ =	sdelay $0x4  }
0x129: {  	v16 =	vmul.f32 v16, v3;
	_ =	sdelay $0x1  }
0x12a: {  	v16 =	vadd.f32 v16, v2;
	_ =	sdelay $0x1  }
0x12b: {  	[tilespmem:s31+$0x7F20] =	vst v16  }
0x12c: {  	v17 =	vld [tilespmem:s30+$0xFFFFFFB0];
	_ =	sdelay $0x4  }
0x12d: {  	v17 =	vmul.f32 v17, v1;
	_ =	sdelay $0x1  }
0x12e: {  	v17 =	vadd.f32 v17, v0;
	_ =	sdelay $0x1  }
0x12f: {  	[tilespmem:s31+$0x7F30] =	vst v17  }
0x130: {  	v18 =	vld [tilespmem:s30+$0x0];
	_ =	sdelay $0x4  }
0x131: {  	v42 =	vmul.f32 v18, v6;
	_ =	sdelay $0x1  }
0x132: {  	v6 =	vadd.f32 v42, v7;
	_ =	sdelay $0x1  }
0x133: {  	[tilespmem:s31+$0x7F40] =	vst v6  }
0x134: {  	v43 =	vld [tilespmem:s30+$0x10];
	_ =	sdelay $0x4  }
0x135: {  	v44 =	vmul.f32 v43, v4;
	_ =	sdelay $0x1  }
0x136: {  	v4 =	vadd.f32 v44, v5;
	_ =	sdelay $0x1  }
0x137: {  	[tilespmem:s31+$0x7F50] =	vst v4  }
0x138: {  	v45 =	vld [tilespmem:s30+$0x20];
	_ =	sdelay $0x4  }
0x139: {  	v46 =	vmul.f32 v45, v3  }
0x13a: {  	v47 =	vld [tilespmem:s31+$0x5B00]  }
0x13b: {  	v51 =	vld [tilespmem:s31+$0x5B30];
	v49 =	vadd.f32 v46, v2  }
0x13c: {  	v48 =	vld [tilespmem:s31+$0x5B10]  }
0x13d: {  	v52 =	vld [tilespmem:s31+$0x5B40];
	[tilespmem:s31+$0x7F60] =	vst v49  }
0x13e: {  	v12 =	vsub.f32 v12, v13;
	v19 =	vld [tilespmem:s30+$0x30]  }
0x13f: {  	v50 =	vld [tilespmem:s31+$0x5B20]  }
0x140: {  	v53 =	vld [tilespmem:s31+$0x5B50];
	v12 =	vmul.f32 v12, v12;
	v56 =	vsub.f32 v51, v17  }
0x141: {  	v54 =	vld [tilespmem:s31+$0x5B60]  }
0x142: {  	v20 =	vld [tilespmem:s31+$0x5B70];
	v11 =	vadd.f32 v12, v11;
	v60 =	vmul.f32 v56, v56;
	v7 =	vsub.f32 v48, v15  }
0x143: {  	v59 =	vsub.f32 v52, v6;
	v55 =	vmul.f32 v19, v1  }
0x144: {  	v7 =	vmul.f32 v7, v7;
	v6 =	vadd.f32 v60, v11;
	v5 =	vsub.f32 v47, v14  }
0x145: {  	v3 =	vsub.f32 v50, v16;
	v57 =	vadd.f32 v55, v0  }
0x146: {  	v7 =	vadd.f32 v7, v10;
	v5 =	vmul.f32 v5, v5;
	v4 =	vsub.f32 v53, v4  }
0x147: {  	v58 =	vmul.f32 v3, v3;
	v2 =	vsub.f32 v54, v49;
	v61 =	vsub.f32 v20, v57  }
0x148: {  	v5 =	vadd.f32 v5, v9;
	v4 =	vmul.f32 v4, v4;
	v3 =	vmul.f32 v59, v59  }
0x149: {  	v2 =	vmul.f32 v2, v2;
	v1 =	vadd.f32 v58, v8;
	v62 =	vmul.f32 v61, v61  }
0x14a: {  	v4 =	vadd.f32 v4, v7;
	v3 =	vadd.f32 v3, v5  }
0x14b: {  	v1 =	vadd.f32 v2, v1;
	v63 =	vadd.f32 v62, v6;
	_ =	sdelay $0x1  }
0x14c: {  	v3 =	vadd.f32 v4, v3;
	v1 =	vadd.f32 v63, v1;
	_ =	sdelay $0x1  }
0x14d: {  	v1 =	vadd.f32 v1, v3  }
0x14e: {  	[tilespmem:s31+$0x7F70] =	vst v57  }
0x14f: {  	[tilespmem:$0x9200] =	vst v1  }
0x150: {  	[hbm4b:s8+s4] =	stream.linear.scatter [tilespmem:s21], [sflag:$0x4], $0x2400, $0x38;
	[tilespmem:$0x9280] =	vst v63  }
0x151: {  	s23 =	sadd.s32 $0x1, s23;
	_ =	swait.ge [sflag:s11], $0x2400  }
0x152: {  	p0 =	sne.s32 s23, s10;
	[sflag:s11] =	ssyncset.done $0x0  }
.Ltmp2:
0x153: {  	[sflag:s11] =	ssyncadd.s32 $0xFFFFDC00;
	(pc) =	sbr.rel @p0 .LBB2_1-.Ltmp2, $4  }
0x154: {  	[hbm4b:s9+s4] =	stream.linear.scatter [tilespmem:s22], [sflag:$0x4], $0x10, $0x38;
	[tilespmem:$0x9280] =	vst v63  }
0x155: {  	_ =	swait.ge [sflag:s11], $0x10  }
0x156: {  	[sflag:s11] =	ssyncset.done $0x0  }
0x157: {  	[sflag:s11] =	ssyncadd.s32 $0xFFFFFFF0  }
0x158: {  	_ =	sfence.sel $0x180000  }
0x159: {  	[bflag:$0x0] =	sbarrier.arrive $0xFFFF  }
0x15a: {  	p0 =	sne.s32 s0, $0x0;
	_ =	strace $0x90000047  }
0x15b: {  	s0 =	sadd.s32 @!p0 $0x100000, s1;
	[bflag:$0x2] =	sbarrier.arrive $0xFFFF  }
0x15c: {  	[sflag:s0] =	ssyncadd.tile.s32 @!p0 $0x1;
	_ =	shalt  }
.Lfunc_end2:
_tile_overlayer_lowered:
.L_overlay_start_2:
0x15d: {  	(tag) =	ssettag $0x2  }
0x15e: {  	s0 =	rddreg [dreg:$0x0];
	s2 =	stileid.u32  }
0x15f: {  	s1 =	rddreg [dreg:$0x1];
	p0 =	sne.s32 s2, $0x0  }
0x160: {  	s3 =	rddreg [dreg:$0x2];
	[bflag:$0x3] =	sbarrier.arrive $0xFFFF;
	s2 =	simm.s32 @!p0 $0x1C04  }
0x161: {  	[timem:s3], [sflag:s2] =	dma.local @!p0 [hbm:s0], s1  }
0x162: {  	s0 =	simm.s32 @!p0 $0x4  }
0x163: {  	_ =	swait.ge @!p0 [sflag:s0], s1  }
0x164: {  	s1 =	ssub.s32 @!p0 $0x0, s1;
	[sflag:s0] =	ssyncset.done @!p0 $0x0  }
0x165: {  	[sflag:s0] =	ssyncadd.s32 @!p0 s1  }
0x166: {  	[bflag:$0x3] =	sbarrier.arrive $0xFFFF  }
0x167: {  	_ =	shalt  }

</sc_bundles>
